<compile_context>
chip_gen: v7x
topology: tpu7x:2x2x1
jax: 0.10.2.dev20260603
libtpu: 0.0.44.dev20260713+nightly
codegen_flags: <defaults>
</compile_context>

<pallas_src>
import functools

import jax
import jax.numpy as jnp
from jax import lax
from jax.experimental import pallas as pl
from jax.experimental.pallas import tpu as pltpu
from jax.experimental.pallas import tpu_sc as plsc

_CHUNK = 128
_K = 64


@functools.cache
def _make_gather(v, d, bsz, hist):
    info = plsc.get_sparse_core_info()
    nc, ns = info.num_cores, info.num_subcores
    nw = nc * ns
    chunk = _CHUNK
    lanes_per_worker = bsz // nw
    assert lanes_per_worker == chunk
    mesh = plsc.VectorSubcoreMesh(core_axis_name="c", subcore_axis_name="s")

    bshift = bsz.bit_length() - 1
    assert bsz == 1 << bshift

    @functools.partial(
        pl.kernel,
        mesh=mesh,
        compiler_params=pltpu.CompilerParams(use_tc_tiling_on_sc=False),
        out_type=jax.ShapeDtypeStruct((bsz * hist, d), jnp.float32),
        scratch_types=[
            pltpu.VMEM((hist, chunk), jnp.int32),
            pltpu.VMEM((chunk, d), jnp.float32),
            pltpu.VMEM((chunk, d), jnp.float32),
            pltpu.VMEM((1, chunk), jnp.int32),
            pltpu.VMEM((1, chunk), jnp.int32),
            pltpu.SemaphoreType.DMA,
            pltpu.SemaphoreType.DMA,
            pltpu.SemaphoreType.DMA,
            pltpu.SemaphoreType.DMA,
        ],
    )
    def gather_kernel(
        table_hbm, idxf_hbm, out_hbm,
        idx_v, rows_a, rows_b, sidx_a, sidx_b, gsem_a, gsem_b, ssem_a, ssem_b,
    ):
        wid = lax.axis_index("s") * nc + lax.axis_index("c")
        row0 = wid * (hist * bsz // (nw * chunk))
        p0 = wid * (hist * bsz // nw)
        pltpu.sync_copy(idxf_hbm.at[pl.ds(row0, hist * bsz // (nw * chunk))], idx_v)

        def fill_sidx(sidx, c):
            base = p0 + c * chunk
            for k in range(chunk // 16):
                p16 = lax.iota(jnp.int32, 16) + (base + 16 * k)
                h16 = lax.shift_right_logical(p16, bshift)
                b16 = lax.bitwise_and(p16, bsz - 1)
                sidx[0, pl.ds(k * 16, 16)] = (
                    lax.shift_left(lax.shift_right_logical(h16, 1), bshift + 1)
                    + 2 * b16
                    + lax.bitwise_and(h16, 1)
                )

        def body(j2, carry):
            c0 = 2 * j2
            c1 = c0 + 1
            pltpu.async_copy(table_hbm.at[idx_v.at[c0]], rows_a, gsem_a)
            pltpu.async_copy(table_hbm.at[idx_v.at[c1]], rows_b, gsem_b)
            fill_sidx(sidx_a, c0)
            fill_sidx(sidx_b, c1)
            pltpu.make_async_copy(table_hbm.at[idx_v.at[c0]], rows_a, gsem_a).wait()
            sca = pltpu.async_copy(rows_a, out_hbm.at[sidx_a.at[0]], ssem_a)
            pltpu.make_async_copy(table_hbm.at[idx_v.at[c1]], rows_b, gsem_b).wait()
            scb = pltpu.async_copy(rows_b, out_hbm.at[sidx_b.at[0]], ssem_b)
            sca.wait()
            scb.wait()
            return carry

        lax.fori_loop(0, hist // 2, body, 0)

    return gather_kernel


def _fmt_idx_body(idst_ref, o_ref, tmp_ref):
    hist, bsz = idst_ref.shape
    x = idst_ref[...]
    tmp_ref[...] = x.reshape(hist, bsz // 128, 128)
    o_ref[...] = tmp_ref[...].reshape(hist * bsz // 128, 128)


def _fmt_idx(idst, bsz, hist):
    return pl.pallas_call(
        _fmt_idx_body,
        out_shape=jax.ShapeDtypeStruct((hist * bsz // 128, 128), jnp.int32),
        scratch_shapes=[pltpu.VMEM((hist, bsz // 128, 128), jnp.int32)],
    )(idst)


def _assemble_body(g_ref, idst_ref, pids_ref, featp_ref, wg_ref, out_ref):
    corr_tbl = lax.dot_general(
        featp_ref[...], wg_ref[...],
        (((1,), (1,)), ((), ())),
        preferred_element_type=jnp.float32,
        precision=lax.Precision.HIGHEST,
    )
    pids_t = pids_ref[...].T
    d = featp_ref.shape[1]
    h2 = pl.program_id(0)
    g = g_ref[...]
    for parity in range(2):
        ids_row = idst_ref[pl.ds(2 * h2 + parity, 1), :]
        onehot = (pids_t == ids_row).astype(jnp.float32)
        corr_t = lax.dot_general(
            corr_tbl, onehot,
            (((0,), (0,)), ((), ())),
            preferred_element_type=jnp.float32,
            precision=lax.Precision.HIGHEST,
        )
        g_t = g[:, parity * d:(parity + 1) * d].T
        out_ref[parity, :, :] = g_t + corr_t


def _assemble(g_view, idst, pids, featp, wg, bsz, hist, d):
    return pl.pallas_call(
        _assemble_body,
        grid=(hist // 2,),
        in_specs=[
            pl.BlockSpec((bsz, 2 * d), lambda h: (h, 0)),
            pl.BlockSpec((hist, bsz), lambda h: (0, 0)),
            pl.BlockSpec((1, _K), lambda h: (0, 0)),
            pl.BlockSpec((_K, d), lambda h: (0, 0)),
            pl.BlockSpec((d, d), lambda h: (0, 0)),
        ],
        out_specs=pl.BlockSpec((2, d, bsz), lambda h: (h, 0, 0)),
        out_shape=jax.ShapeDtypeStruct((hist, d, bsz), jnp.float32),
    )(g_view, idst, pids, featp, wg)


def kernel(ids, id_embed, feat_tbl, W, gamma, prod_mask):
    v, d = id_embed.shape
    bsz, hist = ids.shape

    pidx = jnp.nonzero(prod_mask, size=_K, fill_value=0)[0].astype(jnp.int32)
    count = jnp.sum(prod_mask.astype(jnp.int32))
    pids = jnp.where(jnp.arange(_K, dtype=jnp.int32) < count, pidx, -1)
    pids = pids.reshape(1, _K)
    featp = jnp.take(feat_tbl, pidx, axis=0)
    wg = W * gamma.astype(jnp.float32)

    idst = ids.astype(jnp.int32).T

    gather_fn = _make_gather(v, d, bsz, hist)
    idxf = _fmt_idx(idst, bsz, hist)
    scat = gather_fn(id_embed, idxf)
    g_view = jnp.reshape(scat, (bsz * hist // 2, 2 * d))

    out_t = _assemble(g_view, idst, pids, featp, wg, bsz, hist, d)
    return jnp.transpose(out_t, (2, 0, 1))

# --- scband reference (transcript-rebuilt; emitter-appended) ---
"""Pipeline reference for scband-special-plus-feature-lookup-22720376996642 (READ-ONLY COPY).

The authoritative reference and input builder live on the scoring server;
editing this copy changes nothing except your own understanding.
"""

import jax, jax.numpy as jnp
import numpy as np

VOCAB = 100000
D_MODEL = 64
FEAT_DIM = 64
BATCH = 4096
HIST = 50
PRODUCT_IDS = [7, 123, 999, 1500, 2048, 3333, 4096, 5000, 6789, 8192, 9999, 12345, 15000, 20000, 25000, 30000, 35000, 40000, 45000, 50000, 55000, 60000, 65000, 70000, 75000, 80000, 85000, 90000, 95000, 99999]


def setup_inputs(seed: int = 0) -> dict:
    key = jax.random.key(seed)
    k1, k2, k3, k4 = jax.random.split(key, 4)
    ids = jax.random.randint(k1, (BATCH, HIST), 0, VOCAB, dtype=jnp.int64 if jax.config.jax_enable_x64 else jnp.int32)
    id_embed = jax.random.normal(k2, (VOCAB, D_MODEL), dtype=jnp.float32) * 0.02
    feat_tbl = jax.random.normal(k3, (VOCAB, FEAT_DIM), dtype=jnp.float32)
    W = jax.random.normal(k4, (D_MODEL, FEAT_DIM), dtype=jnp.float32) / np.sqrt(FEAT_DIM)
    gamma = jnp.array(1.0, dtype=jnp.float32)
    prod_mask = jnp.zeros((VOCAB,), dtype=bool).at[jnp.array(PRODUCT_IDS)].set(True)
    return {"ids": ids, "id_embed": id_embed, "feat_tbl": feat_tbl, "W": W, "gamma": gamma, "prod_mask": prod_mask}


def reference(ids, id_embed, feat_tbl, W, gamma, prod_mask):
    # id embedding lookup (gather)
    id_vec = jnp.take(id_embed, ids, axis=0)              # [B, L, d_model]
    # raw feature lookup (gather) -- ext_features is None in this config
    raw_feat = jnp.take(feat_tbl, ids, axis=0)            # [B, L, feat_dim]
    # linear projection, no bias: raw_feat @ W.T
    feat_vec = jnp.einsum('blf,df->bld', raw_feat, W)     # [B, L, d_model]
    # product-id mask gather
    keep = jnp.take(prod_mask, ids, axis=0)               # [B, L] bool
    feat_vec = feat_vec * keep[..., None].astype(feat_vec.dtype)
    return id_vec + gamma * feat_vec

if __name__ == "__main__":
    import jax
    _d = setup_inputs()
    print(jax.jit(kernel)(*tuple(_d.values())))

</pallas_src>

<mosaic_0001>
#map = affine_map<(d0, d1) -> (0, 0)>
module attributes {stable_mosaic.version = 14 : i64} {
  func.func @gather_kernel(%arg0: i32, %arg1: i32, %arg2: memref<100000x64xf32, #tpu.memory_space<hbm>>, %arg3: memref<1600x128xi32, #tpu.memory_space<hbm>>, %arg4: memref<204800x64xf32, #tpu.memory_space<hbm>>, %arg5: memref<50x128xi32, #tpu.memory_space<vmem>>, %arg6: memref<128x64xf32, #tpu.memory_space<vmem>>, %arg7: memref<128x64xf32, #tpu.memory_space<vmem>>, %arg8: memref<1x128xi32, #tpu.memory_space<vmem>>, %arg9: memref<1x128xi32, #tpu.memory_space<vmem>>, %arg10: memref<!tpu.dma_semaphore, #tpu.memory_space<semaphore_mem>>, %arg11: memref<!tpu.dma_semaphore, #tpu.memory_space<semaphore_mem>>, %arg12: memref<!tpu.dma_semaphore, #tpu.memory_space<semaphore_mem>>, %arg13: memref<!tpu.dma_semaphore, #tpu.memory_space<semaphore_mem>>) attributes {dimension_semantics = [#tpu.dimension_semantics<core_parallel>, #tpu.dimension_semantics<subcore_parallel>], iteration_bounds = array<i64: 2, 16>, scalar_prefetch = 0 : i64, scratch_operands = 9 : i64, tpu.core_type = #tpu.core_type<sc_vector_subcore>, window_params = [{transform_indices = #map}, {transform_indices = #map}, {transform_indices = #map}]} {
    %mul3A = arith.constant 2 : i32
    %mul3A_0 = arith.muli %arg1, %mul3A : i32
    %add3A = arith.addi %mul3A_0, %arg0 : i32
    %mul3A_1 = arith.constant 50 : i32
    %mul3A_2 = arith.muli %add3A, %mul3A_1 : i32
    %mul3A_3 = arith.constant 6400 : i32
    %mul3A_4 = arith.muli %add3A, %mul3A_3 : i32
    "tpu.region"() ({
      %run_scoped3A = tpu.sem_alloc : memref<!tpu.dma_semaphore, #tpu.memory_space<semaphore_mem>>
      %dma_start3A = arith.constant 0 : i32
      %dma_start3A_10 = tpu.memref_slice %arg3[%mul3A_2, %dma_start3A] : memref<1600x128xi32, #tpu.memory_space<hbm>> -> memref<50x128xi32, #tpu.memory_space<hbm>>
      %dma_start3A_11 = arith.constant 0 : i32
      %dma_start3A_12 = tpu.memref_slice %arg3[%mul3A_2, %dma_start3A_11] : memref<1600x128xi32, #tpu.memory_space<hbm>> -> memref<50x128xi32, #tpu.memory_space<hbm>>
      tpu.enqueue_dma source(%dma_start3A_12 : memref<50x128xi32, #tpu.memory_space<hbm>>) target(%arg5 : memref<50x128xi32, #tpu.memory_space<vmem>>) target_semaphore(%run_scoped3A : memref<!tpu.dma_semaphore, #tpu.memory_space<semaphore_mem>>)
      %dma_wait3A = arith.constant 0 : i32
      %dma_wait3A_13 = tpu.memref_slice %arg3[%mul3A_2, %dma_wait3A] : memref<1600x128xi32, #tpu.memory_space<hbm>> -> memref<50x128xi32, #tpu.memory_space<hbm>>
      %dma_wait3A_14 = arith.constant 0 : i32
      %dma_wait3A_15 = tpu.memref_slice %arg3[%mul3A_2, %dma_wait3A_14] : memref<1600x128xi32, #tpu.memory_space<hbm>> -> memref<50x128xi32, #tpu.memory_space<hbm>>
      tpu.wait_dma2 semaphore(%run_scoped3A : memref<!tpu.dma_semaphore, #tpu.memory_space<semaphore_mem>>) src(%dma_wait3A_15 : memref<50x128xi32, #tpu.memory_space<hbm>>) dst(%arg5 : memref<50x128xi32, #tpu.memory_space<vmem>>)
      tpu.yield
    }) : () -> ()
    %scan3A = arith.constant 0 : i32
    %scan3A_5 = arith.constant 0 : i32
    %scan3A_6 = arith.constant 25 : i32
    %scan3A_7 = arith.addi %scan3A_5, %scan3A_6 : i32
    %scan3A_8 = arith.constant 1 : i32
    scf.for %scan3A_10 = %scan3A_5 to %scan3A_7 step %scan3A_8  : i32 {
      %mul3A_11 = arith.constant 2 : i32
      %mul3A_12 = arith.muli %mul3A_11, %scan3A_10 : i32
      %add3A_13 = arith.constant 1 : i32
      %add3A_14 = arith.addi %mul3A_12, %add3A_13 : i32
      %dma_start3A = arith.constant 0 : i32
      %dma_start3A_15 = tpu.memref_slice %arg5[%mul3A_12, %dma_start3A] : memref<50x128xi32, #tpu.memory_space<vmem>> -> memref<1x128xi32, #tpu.memory_space<vmem>>
      %dma_start3A_16 = tpu.memref_squeeze %dma_start3A_15 : memref<1x128xi32, #tpu.memory_space<vmem>> -> memref<128xi32, #tpu.memory_space<vmem>>
      %dma_start3A_17 = arith.constant 0 : i32
      %dma_start3A_18 = arith.constant 0 : i32
      %dma_start3A_19 = tpu.memref_slice %arg2[%dma_start3A_17, %dma_start3A_18] : memref<100000x64xf32, #tpu.memory_space<hbm>> -> memref<100000x64xf32, #tpu.memory_space<hbm>>
      tpu.enqueue_indirect_dma source(%dma_start3A_19 : memref<100000x64xf32, #tpu.memory_space<hbm>>) target(%arg6 : memref<128x64xf32, #tpu.memory_space<vmem>>) offsets(%dma_start3A_16 : memref<128xi32, #tpu.memory_space<vmem>>) semaphore(%arg10 : memref<!tpu.dma_semaphore, #tpu.memory_space<semaphore_mem>>)
      %dma_start3A_20 = arith.constant 0 : i32
      %dma_start3A_21 = tpu.memref_slice %arg5[%add3A_14, %dma_start3A_20] : memref<50x128xi32, #tpu.memory_space<vmem>> -> memref<1x128xi32, #tpu.memory_space<vmem>>
      %dma_start3A_22 = tpu.memref_squeeze %dma_start3A_21 : memref<1x128xi32, #tpu.memory_space<vmem>> -> memref<128xi32, #tpu.memory_space<vmem>>
      %dma_start3A_23 = arith.constant 0 : i32
      %dma_start3A_24 = arith.constant 0 : i32
      %dma_start3A_25 = tpu.memref_slice %arg2[%dma_start3A_23, %dma_start3A_24] : memref<100000x64xf32, #tpu.memory_space<hbm>> -> memref<100000x64xf32, #tpu.memory_space<hbm>>
      tpu.enqueue_indirect_dma source(%dma_start3A_25 : memref<100000x64xf32, #tpu.memory_space<hbm>>) target(%arg7 : memref<128x64xf32, #tpu.memory_space<vmem>>) offsets(%dma_start3A_22 : memref<128xi32, #tpu.memory_space<vmem>>) semaphore(%arg11 : memref<!tpu.dma_semaphore, #tpu.memory_space<semaphore_mem>>)
      %mul3A_26 = arith.constant 128 : i32
      %mul3A_27 = arith.muli %mul3A_12, %mul3A_26 : i32
      %add3A_28 = arith.addi %mul3A_4, %mul3A_27 : i32
      %iota3A = tpu.iota {dimensions = array<i32: 0>} : vector<16xi32>
      %add3A_29 = arith.constant 0 : i32
      %add3A_30 = arith.addi %add3A_28, %add3A_29 : i32
      %add3A_31 = vector.broadcast %add3A_30 : i32 to vector<16xi32>
      %add3A_32 = arith.addi %iota3A, %add3A_31 : vector<16xi32>
      %shift_right_logical3A = arith.constant 12 : i32
      %shift_right_logical3A_33 = vector.broadcast %shift_right_logical3A : i32 to vector<16xi32>
      %shift_right_logical3A_34 = arith.shrui %add3A_32, %shift_right_logical3A_33 : vector<16xi32>
      %and3A = arith.constant 4095 : i32
      %and3A_35 = vector.broadcast %and3A : i32 to vector<16xi32>
      %and3A_36 = arith.andi %add3A_32, %and3A_35 : vector<16xi32>
      %shift_right_logical3A_37 = arith.constant 1 : i32
      %shift_right_logical3A_38 = vector.broadcast %shift_right_logical3A_37 : i32 to vector<16xi32>
      %shift_right_logical3A_39 = arith.shrui %shift_right_logical3A_34, %shift_right_logical3A_38 : vector<16xi32>
      %shift_left3A = arith.constant 13 : i32
      %shift_left3A_40 = vector.broadcast %shift_left3A : i32 to vector<16xi32>
      %shift_left3A_41 = arith.shli %shift_right_logical3A_39, %shift_left3A_40 : vector<16xi32>
      %mul3A_42 = arith.constant 2 : i32
      %mul3A_43 = vector.broadcast %mul3A_42 : i32 to vector<16xi32>
      %mul3A_44 = arith.muli %mul3A_43, %and3A_36 : vector<16xi32>
      %add3A_45 = arith.addi %shift_left3A_41, %mul3A_44 : vector<16xi32>
      %and3A_46 = arith.constant 1 : i32
      %and3A_47 = vector.broadcast %and3A_46 : i32 to vector<16xi32>
      %and3A_48 = arith.andi %shift_right_logical3A_34, %and3A_47 : vector<16xi32>
      %add3A_49 = arith.addi %add3A_45, %and3A_48 : vector<16xi32>
      %swap3A = arith.constant 0 : i32
      %swap3A_50 = arith.index_cast %swap3A : i32 to index
      %swap3A_51 = arith.constant 0 : index
      %swap3A_52 = tpu.vector_load %arg8[%swap3A_50, %swap3A_51] {strides = array<i32>} : memref<1x128xi32, #tpu.memory_space<vmem>>, vector<1x16xi32>,
      %swap3A_53 = vector.shape_cast %swap3A_52 : vector<1x16xi32> to vector<16xi32>
      %swap3A_54 = vector.shape_cast %add3A_49 : vector<16xi32> to vector<1x16xi32>
      tpu.vector_store %arg8[%swap3A_50, %swap3A_51], %swap3A_54 {strides = array<i32>} : memref<1x128xi32, #tpu.memory_space<vmem>>, vector<1x16xi32>,
      %iota3A_55 = tpu.iota {dimensions = array<i32: 0>} : vector<16xi32>
      %add3A_56 = arith.constant 16 : i32
      %add3A_57 = arith.addi %add3A_28, %add3A_56 : i32
      %add3A_58 = vector.broadcast %add3A_57 : i32 to vector<16xi32>
      %add3A_59 = arith.addi %iota3A_55, %add3A_58 : vector<16xi32>
      %shift_right_logical3A_60 = arith.constant 12 : i32
      %shift_right_logical3A_61 = vector.broadcast %shift_right_logical3A_60 : i32 to vector<16xi32>
      %shift_right_logical3A_62 = arith.shrui %add3A_59, %shift_right_logical3A_61 : vector<16xi32>
      %and3A_63 = arith.constant 4095 : i32
      %and3A_64 = vector.broadcast %and3A_63 : i32 to vector<16xi32>
      %and3A_65 = arith.andi %add3A_59, %and3A_64 : vector<16xi32>
      %shift_right_logical3A_66 = arith.constant 1 : i32
      %shift_right_logical3A_67 = vector.broadcast %shift_right_logical3A_66 : i32 to vector<16xi32>
      %shift_right_logical3A_68 = arith.shrui %shift_right_logical3A_62, %shift_right_logical3A_67 : vector<16xi32>
      %shift_left3A_69 = arith.constant 13 : i32
      %shift_left3A_70 = vector.broadcast %shift_left3A_69 : i32 to vector<16xi32>
      %shift_left3A_71 = arith.shli %shift_right_logical3A_68, %shift_left3A_70 : vector<16xi32>
      %mul3A_72 = arith.constant 2 : i32
      %mul3A_73 = vector.broadcast %mul3A_72 : i32 to vector<16xi32>
      %mul3A_74 = arith.muli %mul3A_73, %and3A_65 : vector<16xi32>
      %add3A_75 = arith.addi %shift_left3A_71, %mul3A_74 : vector<16xi32>
      %and3A_76 = arith.constant 1 : i32
      %and3A_77 = vector.broadcast %and3A_76 : i32 to vector<16xi32>
      %and3A_78 = arith.andi %shift_right_logical3A_62, %and3A_77 : vector<16xi32>
      %add3A_79 = arith.addi %add3A_75, %and3A_78 : vector<16xi32>
      %swap3A_80 = arith.constant 0 : i32
      %swap3A_81 = arith.index_cast %swap3A_80 : i32 to index
      %swap3A_82 = arith.constant 16 : index
      %swap3A_83 = tpu.vector_load %arg8[%swap3A_81, %swap3A_82] {strides = array<i32>} : memref<1x128xi32, #tpu.memory_space<vmem>>, vector<1x16xi32>,
      %swap3A_84 = vector.shape_cast %swap3A_83 : vector<1x16xi32> to vector<16xi32>
      %swap3A_85 = vector.shape_cast %add3A_79 : vector<16xi32> to vector<1x16xi32>
      tpu.vector_store %arg8[%swap3A_81, %swap3A_82], %swap3A_85 {strides = array<i32>} : memref<1x128xi32, #tpu.memory_space<vmem>>, vector<1x16xi32>,
      %iota3A_86 = tpu.iota {dimensions = array<i32: 0>} : vector<16xi32>
      %add3A_87 = arith.constant 32 : i32
      %add3A_88 = arith.addi %add3A_28, %add3A_87 : i32
      %add3A_89 = vector.broadcast %add3A_88 : i32 to vector<16xi32>
      %add3A_90 = arith.addi %iota3A_86, %add3A_89 : vector<16xi32>
      %shift_right_logical3A_91 = arith.constant 12 : i32
      %shift_right_logical3A_92 = vector.broadcast %shift_right_logical3A_91 : i32 to vector<16xi32>
      %shift_right_logical3A_93 = arith.shrui %add3A_90, %shift_right_logical3A_92 : vector<16xi32>
      %and3A_94 = arith.constant 4095 : i32
      %and3A_95 = vector.broadcast %and3A_94 : i32 to vector<16xi32>
      %and3A_96 = arith.andi %add3A_90, %and3A_95 : vector<16xi32>
      %shift_right_logical3A_97 = arith.constant 1 : i32
      %shift_right_logical3A_98 = vector.broadcast %shift_right_logical3A_97 : i32 to vector<16xi32>
      %shift_right_logical3A_99 = arith.shrui %shift_right_logical3A_93, %shift_right_logical3A_98 : vector<16xi32>
      %shift_left3A_100 = arith.constant 13 : i32
      %shift_left3A_101 = vector.broadcast %shift_left3A_100 : i32 to vector<16xi32>
      %shift_left3A_102 = arith.shli %shift_right_logical3A_99, %shift_left3A_101 : vector<16xi32>
      %mul3A_103 = arith.constant 2 : i32
      %mul3A_104 = vector.broadcast %mul3A_103 : i32 to vector<16xi32>
      %mul3A_105 = arith.muli %mul3A_104, %and3A_96 : vector<16xi32>
      %add3A_106 = arith.addi %shift_left3A_102, %mul3A_105 : vector<16xi32>
      %and3A_107 = arith.constant 1 : i32
      %and3A_108 = vector.broadcast %and3A_107 : i32 to vector<16xi32>
      %and3A_109 = arith.andi %shift_right_logical3A_93, %and3A_108 : vector<16xi32>
      %add3A_110 = arith.addi %add3A_106, %and3A_109 : vector<16xi32>
      %swap3A_111 = arith.constant 0 : i32
      %swap3A_112 = arith.index_cast %swap3A_111 : i32 to index
      %swap3A_113 = arith.constant 32 : index
      %swap3A_114 = tpu.vector_load %arg8[%swap3A_112, %swap3A_113] {strides = array<i32>} : memref<1x128xi32, #tpu.memory_space<vmem>>, vector<1x16xi32>,
      %swap3A_115 = vector.shape_cast %swap3A_114 : vector<1x16xi32> to vector<16xi32>
      %swap3A_116 = vector.shape_cast %add3A_110 : vector<16xi32> to vector<1x16xi32>
      tpu.vector_store %arg8[%swap3A_112, %swap3A_113], %swap3A_116 {strides = array<i32>} : memref<1x128xi32, #tpu.memory_space<vmem>>, vector<1x16xi32>,
      %iota3A_117 = tpu.iota {dimensions = array<i32: 0>} : vector<16xi32>
      %add3A_118 = arith.constant 48 : i32
      %add3A_119 = arith.addi %add3A_28, %add3A_118 : i32
      %add3A_120 = vector.broadcast %add3A_119 : i32 to vector<16xi32>
      %add3A_121 = arith.addi %iota3A_117, %add3A_120 : vector<16xi32>
      %shift_right_logical3A_122 = arith.constant 12 : i32
      %shift_right_logical3A_123 = vector.broadcast %shift_right_logical3A_122 : i32 to vector<16xi32>
      %shift_right_logical3A_124 = arith.shrui %add3A_121, %shift_right_logical3A_123 : vector<16xi32>
      %and3A_125 = arith.constant 4095 : i32
      %and3A_126 = vector.broadcast %and3A_125 : i32 to vector<16xi32>
      %and3A_127 = arith.andi %add3A_121, %and3A_126 : vector<16xi32>
      %shift_right_logical3A_128 = arith.constant 1 : i32
      %shift_right_logical3A_129 = vector.broadcast %shift_right_logical3A_128 : i32 to vector<16xi32>
      %shift_right_logical3A_130 = arith.shrui %shift_right_logical3A_124, %shift_right_logical3A_129 : vector<16xi32>
      %shift_left3A_131 = arith.constant 13 : i32
      %shift_left3A_132 = vector.broadcast %shift_left3A_131 : i32 to vector<16xi32>
      %shift_left3A_133 = arith.shli %shift_right_logical3A_130, %shift_left3A_132 : vector<16xi32>
      %mul3A_134 = arith.constant 2 : i32
      %mul3A_135 = vector.broadcast %mul3A_134 : i32 to vector<16xi32>
      %mul3A_136 = arith.muli %mul3A_135, %and3A_127 : vector<16xi32>
      %add3A_137 = arith.addi %shift_left3A_133, %mul3A_136 : vector<16xi32>
      %and3A_138 = arith.constant 1 : i32
      %and3A_139 = vector.broadcast %and3A_138 : i32 to vector<16xi32>
      %and3A_140 = arith.andi %shift_right_logical3A_124, %and3A_139 : vector<16xi32>
      %add3A_141 = arith.addi %add3A_137, %and3A_140 : vector<16xi32>
      %swap3A_142 = arith.constant 0 : i32
      %swap3A_143 = arith.index_cast %swap3A_142 : i32 to index
      %swap3A_144 = arith.constant 48 : index
      %swap3A_145 = tpu.vector_load %arg8[%swap3A_143, %swap3A_144] {strides = array<i32>} : memref<1x128xi32, #tpu.memory_space<vmem>>, vector<1x16xi32>,
      %swap3A_146 = vector.shape_cast %swap3A_145 : vector<1x16xi32> to vector<16xi32>
      %swap3A_147 = vector.shape_cast %add3A_141 : vector<16xi32> to vector<1x16xi32>
      tpu.vector_store %arg8[%swap3A_143, %swap3A_144], %swap3A_147 {strides = array<i32>} : memref<1x128xi32, #tpu.memory_space<vmem>>, vector<1x16xi32>,
      %iota3A_148 = tpu.iota {dimensions = array<i32: 0>} : vector<16xi32>
      %add3A_149 = arith.constant 64 : i32
      %add3A_150 = arith.addi %add3A_28, %add3A_149 : i32
      %add3A_151 = vector.broadcast %add3A_150 : i32 to vector<16xi32>
      %add3A_152 = arith.addi %iota3A_148, %add3A_151 : vector<16xi32>
      %shift_right_logical3A_153 = arith.constant 12 : i32
      %shift_right_logical3A_154 = vector.broadcast %shift_right_logical3A_153 : i32 to vector<16xi32>
      %shift_right_logical3A_155 = arith.shrui %add3A_152, %shift_right_logical3A_154 : vector<16xi32>
      %and3A_156 = arith.constant 4095 : i32
      %and3A_157 = vector.broadcast %and3A_156 : i32 to vector<16xi32>
      %and3A_158 = arith.andi %add3A_152, %and3A_157 : vector<16xi32>
      %shift_right_logical3A_159 = arith.constant 1 : i32
      %shift_right_logical3A_160 = vector.broadcast %shift_right_logical3A_159 : i32 to vector<16xi32>
      %shift_right_logical3A_161 = arith.shrui %shift_right_logical3A_155, %shift_right_logical3A_160 : vector<16xi32>
      %shift_left3A_162 = arith.constant 13 : i32
      %shift_left3A_163 = vector.broadcast %shift_left3A_162 : i32 to vector<16xi32>
      %shift_left3A_164 = arith.shli %shift_right_logical3A_161, %shift_left3A_163 : vector<16xi32>
      %mul3A_165 = arith.constant 2 : i32
      %mul3A_166 = vector.broadcast %mul3A_165 : i32 to vector<16xi32>
      %mul3A_167 = arith.muli %mul3A_166, %and3A_158 : vector<16xi32>
      %add3A_168 = arith.addi %shift_left3A_164, %mul3A_167 : vector<16xi32>
      %and3A_169 = arith.constant 1 : i32
      %and3A_170 = vector.broadcast %and3A_169 : i32 to vector<16xi32>
      %and3A_171 = arith.andi %shift_right_logical3A_155, %and3A_170 : vector<16xi32>
      %add3A_172 = arith.addi %add3A_168, %and3A_171 : vector<16xi32>
      %swap3A_173 = arith.constant 0 : i32
      %swap3A_174 = arith.index_cast %swap3A_173 : i32 to index
      %swap3A_175 = arith.constant 64 : index
      %swap3A_176 = tpu.vector_load %arg8[%swap3A_174, %swap3A_175] {strides = array<i32>} : memref<1x128xi32, #tpu.memory_space<vmem>>, vector<1x16xi32>,
      %swap3A_177 = vector.shape_cast %swap3A_176 : vector<1x16xi32> to vector<16xi32>
      %swap3A_178 = vector.shape_cast %add3A_172 : vector<16xi32> to vector<1x16xi32>
      tpu.vector_store %arg8[%swap3A_174, %swap3A_175], %swap3A_178 {strides = array<i32>} : memref<1x128xi32, #tpu.memory_space<vmem>>, vector<1x16xi32>,
      %iota3A_179 = tpu.iota {dimensions = array<i32: 0>} : vector<16xi32>
      %add3A_180 = arith.constant 80 : i32
      %add3A_181 = arith.addi %add3A_28, %add3A_180 : i32
      %add3A_182 = vector.broadcast %add3A_181 : i32 to vector<16xi32>
      %add3A_183 = arith.addi %iota3A_179, %add3A_182 : vector<16xi32>
      %shift_right_logical3A_184 = arith.constant 12 : i32
      %shift_right_logical3A_185 = vector.broadcast %shift_right_logical3A_184 : i32 to vector<16xi32>
      %shift_right_logical3A_186 = arith.shrui %add3A_183, %shift_right_logical3A_185 : vector<16xi32>
      %and3A_187 = arith.constant 4095 : i32
      %and3A_188 = vector.broadcast %and3A_187 : i32 to vector<16xi32>
      %and3A_189 = arith.andi %add3A_183, %and3A_188 : vector<16xi32>
      %shift_right_logical3A_190 = arith.constant 1 : i32
      %shift_right_logical3A_191 = vector.broadcast %shift_right_logical3A_190 : i32 to vector<16xi32>
      %shift_right_logical3A_192 = arith.shrui %shift_right_logical3A_186, %shift_right_logical3A_191 : vector<16xi32>
      %shift_left3A_193 = arith.constant 13 : i32
      %shift_left3A_194 = vector.broadcast %shift_left3A_193 : i32 to vector<16xi32>
      %shift_left3A_195 = arith.shli %shift_right_logical3A_192, %shift_left3A_194 : vector<16xi32>
      %mul3A_196 = arith.constant 2 : i32
      %mul3A_197 = vector.broadcast %mul3A_196 : i32 to vector<16xi32>
      %mul3A_198 = arith.muli %mul3A_197, %and3A_189 : vector<16xi32>
      %add3A_199 = arith.addi %shift_left3A_195, %mul3A_198 : vector<16xi32>
      %and3A_200 = arith.constant 1 : i32
      %and3A_201 = vector.broadcast %and3A_200 : i32 to vector<16xi32>
      %and3A_202 = arith.andi %shift_right_logical3A_186, %and3A_201 : vector<16xi32>
      %add3A_203 = arith.addi %add3A_199, %and3A_202 : vector<16xi32>
      %swap3A_204 = arith.constant 0 : i32
      %swap3A_205 = arith.index_cast %swap3A_204 : i32 to index
      %swap3A_206 = arith.constant 80 : index
      %swap3A_207 = tpu.vector_load %arg8[%swap3A_205, %swap3A_206] {strides = array<i32>} : memref<1x128xi32, #tpu.memory_space<vmem>>, vector<1x16xi32>,
      %swap3A_208 = vector.shape_cast %swap3A_207 : vector<1x16xi32> to vector<16xi32>
      %swap3A_209 = vector.shape_cast %add3A_203 : vector<16xi32> to vector<1x16xi32>
      tpu.vector_store %arg8[%swap3A_205, %swap3A_206], %swap3A_209 {strides = array<i32>} : memref<1x128xi32, #tpu.memory_space<vmem>>, vector<1x16xi32>,
      %iota3A_210 = tpu.iota {dimensions = array<i32: 0>} : vector<16xi32>
      %add3A_211 = arith.constant 96 : i32
      %add3A_212 = arith.addi %add3A_28, %add3A_211 : i32
      %add3A_213 = vector.broadcast %add3A_212 : i32 to vector<16xi32>
      %add3A_214 = arith.addi %iota3A_210, %add3A_213 : vector<16xi32>
      %shift_right_logical3A_215 = arith.constant 12 : i32
      %shift_right_logical3A_216 = vector.broadcast %shift_right_logical3A_215 : i32 to vector<16xi32>
      %shift_right_logical3A_217 = arith.shrui %add3A_214, %shift_right_logical3A_216 : vector<16xi32>
      %and3A_218 = arith.constant 4095 : i32
      %and3A_219 = vector.broadcast %and3A_218 : i32 to vector<16xi32>
      %and3A_220 = arith.andi %add3A_214, %and3A_219 : vector<16xi32>
      %shift_right_logical3A_221 = arith.constant 1 : i32
      %shift_right_logical3A_222 = vector.broadcast %shift_right_logical3A_221 : i32 to vector<16xi32>
      %shift_right_logical3A_223 = arith.shrui %shift_right_logical3A_217, %shift_right_logical3A_222 : vector<16xi32>
      %shift_left3A_224 = arith.constant 13 : i32
      %shift_left3A_225 = vector.broadcast %shift_left3A_224 : i32 to vector<16xi32>
      %shift_left3A_226 = arith.shli %shift_right_logical3A_223, %shift_left3A_225 : vector<16xi32>
      %mul3A_227 = arith.constant 2 : i32
      %mul3A_228 = vector.broadcast %mul3A_227 : i32 to vector<16xi32>
      %mul3A_229 = arith.muli %mul3A_228, %and3A_220 : vector<16xi32>
      %add3A_230 = arith.addi %shift_left3A_226, %mul3A_229 : vector<16xi32>
      %and3A_231 = arith.constant 1 : i32
      %and3A_232 = vector.broadcast %and3A_231 : i32 to vector<16xi32>
      %and3A_233 = arith.andi %shift_right_logical3A_217, %and3A_232 : vector<16xi32>
      %add3A_234 = arith.addi %add3A_230, %and3A_233 : vector<16xi32>
      %swap3A_235 = arith.constant 0 : i32
      %swap3A_236 = arith.index_cast %swap3A_235 : i32 to index
      %swap3A_237 = arith.constant 96 : index
      %swap3A_238 = tpu.vector_load %arg8[%swap3A_236, %swap3A_237] {strides = array<i32>} : memref<1x128xi32, #tpu.memory_space<vmem>>, vector<1x16xi32>,
      %swap3A_239 = vector.shape_cast %swap3A_238 : vector<1x16xi32> to vector<16xi32>
      %swap3A_240 = vector.shape_cast %add3A_234 : vector<16xi32> to vector<1x16xi32>
      tpu.vector_store %arg8[%swap3A_236, %swap3A_237], %swap3A_240 {strides = array<i32>} : memref<1x128xi32, #tpu.memory_space<vmem>>, vector<1x16xi32>,
      %iota3A_241 = tpu.iota {dimensions = array<i32: 0>} : vector<16xi32>
      %add3A_242 = arith.constant 112 : i32
      %add3A_243 = arith.addi %add3A_28, %add3A_242 : i32
      %add3A_244 = vector.broadcast %add3A_243 : i32 to vector<16xi32>
      %add3A_245 = arith.addi %iota3A_241, %add3A_244 : vector<16xi32>
      %shift_right_logical3A_246 = arith.constant 12 : i32
      %shift_right_logical3A_247 = vector.broadcast %shift_right_logical3A_246 : i32 to vector<16xi32>
      %shift_right_logical3A_248 = arith.shrui %add3A_245, %shift_right_logical3A_247 : vector<16xi32>
      %and3A_249 = arith.constant 4095 : i32
      %and3A_250 = vector.broadcast %and3A_249 : i32 to vector<16xi32>
      %and3A_251 = arith.andi %add3A_245, %and3A_250 : vector<16xi32>
      %shift_right_logical3A_252 = arith.constant 1 : i32
      %shift_right_logical3A_253 = vector.broadcast %shift_right_logical3A_252 : i32 to vector<16xi32>
      %shift_right_logical3A_254 = arith.shrui %shift_right_logical3A_248, %shift_right_logical3A_253 : vector<16xi32>
      %shift_left3A_255 = arith.constant 13 : i32
      %shift_left3A_256 = vector.broadcast %shift_left3A_255 : i32 to vector<16xi32>
      %shift_left3A_257 = arith.shli %shift_right_logical3A_254, %shift_left3A_256 : vector<16xi32>
      %mul3A_258 = arith.constant 2 : i32
      %mul3A_259 = vector.broadcast %mul3A_258 : i32 to vector<16xi32>
      %mul3A_260 = arith.muli %mul3A_259, %and3A_251 : vector<16xi32>
      %add3A_261 = arith.addi %shift_left3A_257, %mul3A_260 : vector<16xi32>
      %and3A_262 = arith.constant 1 : i32
      %and3A_263 = vector.broadcast %and3A_262 : i32 to vector<16xi32>
      %and3A_264 = arith.andi %shift_right_logical3A_248, %and3A_263 : vector<16xi32>
      %add3A_265 = arith.addi %add3A_261, %and3A_264 : vector<16xi32>
      %swap3A_266 = arith.constant 0 : i32
      %swap3A_267 = arith.index_cast %swap3A_266 : i32 to index
      %swap3A_268 = arith.constant 112 : index
      %swap3A_269 = tpu.vector_load %arg8[%swap3A_267, %swap3A_268] {strides = array<i32>} : memref<1x128xi32, #tpu.memory_space<vmem>>, vector<1x16xi32>,
      %swap3A_270 = vector.shape_cast %swap3A_269 : vector<1x16xi32> to vector<16xi32>
      %swap3A_271 = vector.shape_cast %add3A_265 : vector<16xi32> to vector<1x16xi32>
      tpu.vector_store %arg8[%swap3A_267, %swap3A_268], %swap3A_271 {strides = array<i32>} : memref<1x128xi32, #tpu.memory_space<vmem>>, vector<1x16xi32>,
      %mul3A_272 = arith.constant 128 : i32
      %mul3A_273 = arith.muli %add3A_14, %mul3A_272 : i32
      %add3A_274 = arith.addi %mul3A_4, %mul3A_273 : i32
      %iota3A_275 = tpu.iota {dimensions = array<i32: 0>} : vector<16xi32>
      %add3A_276 = arith.constant 0 : i32
      %add3A_277 = arith.addi %add3A_274, %add3A_276 : i32
      %add3A_278 = vector.broadcast %add3A_277 : i32 to vector<16xi32>
      %add3A_279 = arith.addi %iota3A_275, %add3A_278 : vector<16xi32>
      %shift_right_logical3A_280 = arith.constant 12 : i32
      %shift_right_logical3A_281 = vector.broadcast %shift_right_logical3A_280 : i32 to vector<16xi32>
      %shift_right_logical3A_282 = arith.shrui %add3A_279, %shift_right_logical3A_281 : vector<16xi32>
      %and3A_283 = arith.constant 4095 : i32
      %and3A_284 = vector.broadcast %and3A_283 : i32 to vector<16xi32>
      %and3A_285 = arith.andi %add3A_279, %and3A_284 : vector<16xi32>
      %shift_right_logical3A_286 = arith.constant 1 : i32
      %shift_right_logical3A_287 = vector.broadcast %shift_right_logical3A_286 : i32 to vector<16xi32>
      %shift_right_logical3A_288 = arith.shrui %shift_right_logical3A_282, %shift_right_logical3A_287 : vector<16xi32>
      %shift_left3A_289 = arith.constant 13 : i32
      %shift_left3A_290 = vector.broadcast %shift_left3A_289 : i32 to vector<16xi32>
      %shift_left3A_291 = arith.shli %shift_right_logical3A_288, %shift_left3A_290 : vector<16xi32>
      %mul3A_292 = arith.constant 2 : i32
      %mul3A_293 = vector.broadcast %mul3A_292 : i32 to vector<16xi32>
      %mul3A_294 = arith.muli %mul3A_293, %and3A_285 : vector<16xi32>
      %add3A_295 = arith.addi %shift_left3A_291, %mul3A_294 : vector<16xi32>
      %and3A_296 = arith.constant 1 : i32
      %and3A_297 = vector.broadcast %and3A_296 : i32 to vector<16xi32>
      %and3A_298 = arith.andi %shift_right_logical3A_282, %and3A_297 : vector<16xi32>
      %add3A_299 = arith.addi %add3A_295, %and3A_298 : vector<16xi32>
      %swap3A_300 = arith.constant 0 : i32
      %swap3A_301 = arith.index_cast %swap3A_300 : i32 to index
      %swap3A_302 = arith.constant 0 : index
      %swap3A_303 = tpu.vector_load %arg9[%swap3A_301, %swap3A_302] {strides = array<i32>} : memref<1x128xi32, #tpu.memory_space<vmem>>, vector<1x16xi32>,
      %swap3A_304 = vector.shape_cast %swap3A_303 : vector<1x16xi32> to vector<16xi32>
      %swap3A_305 = vector.shape_cast %add3A_299 : vector<16xi32> to vector<1x16xi32>
      tpu.vector_store %arg9[%swap3A_301, %swap3A_302], %swap3A_305 {strides = array<i32>} : memref<1x128xi32, #tpu.memory_space<vmem>>, vector<1x16xi32>,
      %iota3A_306 = tpu.iota {dimensions = array<i32: 0>} : vector<16xi32>
      %add3A_307 = arith.constant 16 : i32
      %add3A_308 = arith.addi %add3A_274, %add3A_307 : i32
      %add3A_309 = vector.broadcast %add3A_308 : i32 to vector<16xi32>
      %add3A_310 = arith.addi %iota3A_306, %add3A_309 : vector<16xi32>
      %shift_right_logical3A_311 = arith.constant 12 : i32
      %shift_right_logical3A_312 = vector.broadcast %shift_right_logical3A_311 : i32 to vector<16xi32>
      %shift_right_logical3A_313 = arith.shrui %add3A_310, %shift_right_logical3A_312 : vector<16xi32>
      %and3A_314 = arith.constant 4095 : i32
      %and3A_315 = vector.broadcast %and3A_314 : i32 to vector<16xi32>
      %and3A_316 = arith.andi %add3A_310, %and3A_315 : vector<16xi32>
      %shift_right_logical3A_317 = arith.constant 1 : i32
      %shift_right_logical3A_318 = vector.broadcast %shift_right_logical3A_317 : i32 to vector<16xi32>
      %shift_right_logical3A_319 = arith.shrui %shift_right_logical3A_313, %shift_right_logical3A_318 : vector<16xi32>
      %shift_left3A_320 = arith.constant 13 : i32
      %shift_left3A_321 = vector.broadcast %shift_left3A_320 : i32 to vector<16xi32>
      %shift_left3A_322 = arith.shli %shift_right_logical3A_319, %shift_left3A_321 : vector<16xi32>
      %mul3A_323 = arith.constant 2 : i32
      %mul3A_324 = vector.broadcast %mul3A_323 : i32 to vector<16xi32>
      %mul3A_325 = arith.muli %mul3A_324, %and3A_316 : vector<16xi32>
      %add3A_326 = arith.addi %shift_left3A_322, %mul3A_325 : vector<16xi32>
      %and3A_327 = arith.constant 1 : i32
      %and3A_328 = vector.broadcast %and3A_327 : i32 to vector<16xi32>
      %and3A_329 = arith.andi %shift_right_logical3A_313, %and3A_328 : vector<16xi32>
      %add3A_330 = arith.addi %add3A_326, %and3A_329 : vector<16xi32>
      %swap3A_331 = arith.constant 0 : i32
      %swap3A_332 = arith.index_cast %swap3A_331 : i32 to index
      %swap3A_333 = arith.constant 16 : index
      %swap3A_334 = tpu.vector_load %arg9[%swap3A_332, %swap3A_333] {strides = array<i32>} : memref<1x128xi32, #tpu.memory_space<vmem>>, vector<1x16xi32>,
      %swap3A_335 = vector.shape_cast %swap3A_334 : vector<1x16xi32> to vector<16xi32>
      %swap3A_336 = vector.shape_cast %add3A_330 : vector<16xi32> to vector<1x16xi32>
      tpu.vector_store %arg9[%swap3A_332, %swap3A_333], %swap3A_336 {strides = array<i32>} : memref<1x128xi32, #tpu.memory_space<vmem>>, vector<1x16xi32>,
      %iota3A_337 = tpu.iota {dimensions = array<i32: 0>} : vector<16xi32>
      %add3A_338 = arith.constant 32 : i32
      %add3A_339 = arith.addi %add3A_274, %add3A_338 : i32
      %add3A_340 = vector.broadcast %add3A_339 : i32 to vector<16xi32>
      %add3A_341 = arith.addi %iota3A_337, %add3A_340 : vector<16xi32>
      %shift_right_logical3A_342 = arith.constant 12 : i32
      %shift_right_logical3A_343 = vector.broadcast %shift_right_logical3A_342 : i32 to vector<16xi32>
      %shift_right_logical3A_344 = arith.shrui %add3A_341, %shift_right_logical3A_343 : vector<16xi32>
      %and3A_345 = arith.constant 4095 : i32
      %and3A_346 = vector.broadcast %and3A_345 : i32 to vector<16xi32>
      %and3A_347 = arith.andi %add3A_341, %and3A_346 : vector<16xi32>
      %shift_right_logical3A_348 = arith.constant 1 : i32
      %shift_right_logical3A_349 = vector.broadcast %shift_right_logical3A_348 : i32 to vector<16xi32>
      %shift_right_logical3A_350 = arith.shrui %shift_right_logical3A_344, %shift_right_logical3A_349 : vector<16xi32>
      %shift_left3A_351 = arith.constant 13 : i32
      %shift_left3A_352 = vector.broadcast %shift_left3A_351 : i32 to vector<16xi32>
      %shift_left3A_353 = arith.shli %shift_right_logical3A_350, %shift_left3A_352 : vector<16xi32>
      %mul3A_354 = arith.constant 2 : i32
      %mul3A_355 = vector.broadcast %mul3A_354 : i32 to vector<16xi32>
      %mul3A_356 = arith.muli %mul3A_355, %and3A_347 : vector<16xi32>
      %add3A_357 = arith.addi %shift_left3A_353, %mul3A_356 : vector<16xi32>
      %and3A_358 = arith.constant 1 : i32
      %and3A_359 = vector.broadcast %and3A_358 : i32 to vector<16xi32>
      %and3A_360 = arith.andi %shift_right_logical3A_344, %and3A_359 : vector<16xi32>
      %add3A_361 = arith.addi %add3A_357, %and3A_360 : vector<16xi32>
      %swap3A_362 = arith.constant 0 : i32
      %swap3A_363 = arith.index_cast %swap3A_362 : i32 to index
      %swap3A_364 = arith.constant 32 : index
      %swap3A_365 = tpu.vector_load %arg9[%swap3A_363, %swap3A_364] {strides = array<i32>} : memref<1x128xi32, #tpu.memory_space<vmem>>, vector<1x16xi32>,
      %swap3A_366 = vector.shape_cast %swap3A_365 : vector<1x16xi32> to vector<16xi32>
      %swap3A_367 = vector.shape_cast %add3A_361 : vector<16xi32> to vector<1x16xi32>
      tpu.vector_store %arg9[%swap3A_363, %swap3A_364], %swap3A_367 {strides = array<i32>} : memref<1x128xi32, #tpu.memory_space<vmem>>, vector<1x16xi32>,
      %iota3A_368 = tpu.iota {dimensions = array<i32: 0>} : vector<16xi32>
      %add3A_369 = arith.constant 48 : i32
      %add3A_370 = arith.addi %add3A_274, %add3A_369 : i32
      %add3A_371 = vector.broadcast %add3A_370 : i32 to vector<16xi32>
      %add3A_372 = arith.addi %iota3A_368, %add3A_371 : vector<16xi32>
      %shift_right_logical3A_373 = arith.constant 12 : i32
      %shift_right_logical3A_374 = vector.broadcast %shift_right_logical3A_373 : i32 to vector<16xi32>
      %shift_right_logical3A_375 = arith.shrui %add3A_372, %shift_right_logical3A_374 : vector<16xi32>
      %and3A_376 = arith.constant 4095 : i32
      %and3A_377 = vector.broadcast %and3A_376 : i32 to vector<16xi32>
      %and3A_378 = arith.andi %add3A_372, %and3A_377 : vector<16xi32>
      %shift_right_logical3A_379 = arith.constant 1 : i32
      %shift_right_logical3A_380 = vector.broadcast %shift_right_logical3A_379 : i32 to vector<16xi32>
      %shift_right_logical3A_381 = arith.shrui %shift_right_logical3A_375, %shift_right_logical3A_380 : vector<16xi32>
      %shift_left3A_382 = arith.constant 13 : i32
      %shift_left3A_383 = vector.broadcast %shift_left3A_382 : i32 to vector<16xi32>
      %shift_left3A_384 = arith.shli %shift_right_logical3A_381, %shift_left3A_383 : vector<16xi32>
      %mul3A_385 = arith.constant 2 : i32
      %mul3A_386 = vector.broadcast %mul3A_385 : i32 to vector<16xi32>
      %mul3A_387 = arith.muli %mul3A_386, %and3A_378 : vector<16xi32>
      %add3A_388 = arith.addi %shift_left3A_384, %mul3A_387 : vector<16xi32>
      %and3A_389 = arith.constant 1 : i32
      %and3A_390 = vector.broadcast %and3A_389 : i32 to vector<16xi32>
      %and3A_391 = arith.andi %shift_right_logical3A_375, %and3A_390 : vector<16xi32>
      %add3A_392 = arith.addi %add3A_388, %and3A_391 : vector<16xi32>
      %swap3A_393 = arith.constant 0 : i32
      %swap3A_394 = arith.index_cast %swap3A_393 : i32 to index
      %swap3A_395 = arith.constant 48 : index
      %swap3A_396 = tpu.vector_load %arg9[%swap3A_394, %swap3A_395] {strides = array<i32>} : memref<1x128xi32, #tpu.memory_space<vmem>>, vector<1x16xi32>,
      %swap3A_397 = vector.shape_cast %swap3A_396 : vector<1x16xi32> to vector<16xi32>
      %swap3A_398 = vector.shape_cast %add3A_392 : vector<16xi32> to vector<1x16xi32>
      tpu.vector_store %arg9[%swap3A_394, %swap3A_395], %swap3A_398 {strides = array<i32>} : memref<1x128xi32, #tpu.memory_space<vmem>>, vector<1x16xi32>,
      %iota3A_399 = tpu.iota {dimensions = array<i32: 0>} : vector<16xi32>
      %add3A_400 = arith.constant 64 : i32
      %add3A_401 = arith.addi %add3A_274, %add3A_400 : i32
      %add3A_402 = vector.broadcast %add3A_401 : i32 to vector<16xi32>
      %add3A_403 = arith.addi %iota3A_399, %add3A_402 : vector<16xi32>
      %shift_right_logical3A_404 = arith.constant 12 : i32
      %shift_right_logical3A_405 = vector.broadcast %shift_right_logical3A_404 : i32 to vector<16xi32>
      %shift_right_logical3A_406 = arith.shrui %add3A_403, %shift_right_logical3A_405 : vector<16xi32>
      %and3A_407 = arith.constant 4095 : i32
      %and3A_408 = vector.broadcast %and3A_407 : i32 to vector<16xi32>
      %and3A_409 = arith.andi %add3A_403, %and3A_408 : vector<16xi32>
      %shift_right_logical3A_410 = arith.constant 1 : i32
      %shift_right_logical3A_411 = vector.broadcast %shift_right_logical3A_410 : i32 to vector<16xi32>
      %shift_right_logical3A_412 = arith.shrui %shift_right_logical3A_406, %shift_right_logical3A_411 : vector<16xi32>
      %shift_left3A_413 = arith.constant 13 : i32
      %shift_left3A_414 = vector.broadcast %shift_left3A_413 : i32 to vector<16xi32>
      %shift_left3A_415 = arith.shli %shift_right_logical3A_412, %shift_left3A_414 : vector<16xi32>
      %mul3A_416 = arith.constant 2 : i32
      %mul3A_417 = vector.broadcast %mul3A_416 : i32 to vector<16xi32>
      %mul3A_418 = arith.muli %mul3A_417, %and3A_409 : vector<16xi32>
      %add3A_419 = arith.addi %shift_left3A_415, %mul3A_418 : vector<16xi32>
      %and3A_420 = arith.constant 1 : i32
      %and3A_421 = vector.broadcast %and3A_420 : i32 to vector<16xi32>
      %and3A_422 = arith.andi %shift_right_logical3A_406, %and3A_421 : vector<16xi32>
      %add3A_423 = arith.addi %add3A_419, %and3A_422 : vector<16xi32>
      %swap3A_424 = arith.constant 0 : i32
      %swap3A_425 = arith.index_cast %swap3A_424 : i32 to index
      %swap3A_426 = arith.constant 64 : index
      %swap3A_427 = tpu.vector_load %arg9[%swap3A_425, %swap3A_426] {strides = array<i32>} : memref<1x128xi32, #tpu.memory_space<vmem>>, vector<1x16xi32>,
      %swap3A_428 = vector.shape_cast %swap3A_427 : vector<1x16xi32> to vector<16xi32>
      %swap3A_429 = vector.shape_cast %add3A_423 : vector<16xi32> to vector<1x16xi32>
      tpu.vector_store %arg9[%swap3A_425, %swap3A_426], %swap3A_429 {strides = array<i32>} : memref<1x128xi32, #tpu.memory_space<vmem>>, vector<1x16xi32>,
      %iota3A_430 = tpu.iota {dimensions = array<i32: 0>} : vector<16xi32>
      %add3A_431 = arith.constant 80 : i32
      %add3A_432 = arith.addi %add3A_274, %add3A_431 : i32
      %add3A_433 = vector.broadcast %add3A_432 : i32 to vector<16xi32>
      %add3A_434 = arith.addi %iota3A_430, %add3A_433 : vector<16xi32>
      %shift_right_logical3A_435 = arith.constant 12 : i32
      %shift_right_logical3A_436 = vector.broadcast %shift_right_logical3A_435 : i32 to vector<16xi32>
      %shift_right_logical3A_437 = arith.shrui %add3A_434, %shift_right_logical3A_436 : vector<16xi32>
      %and3A_438 = arith.constant 4095 : i32
      %and3A_439 = vector.broadcast %and3A_438 : i32 to vector<16xi32>
      %and3A_440 = arith.andi %add3A_434, %and3A_439 : vector<16xi32>
      %shift_right_logical3A_441 = arith.constant 1 : i32
      %shift_right_logical3A_442 = vector.broadcast %shift_right_logical3A_441 : i32 to vector<16xi32>
      %shift_right_logical3A_443 = arith.shrui %shift_right_logical3A_437, %shift_right_logical3A_442 : vector<16xi32>
      %shift_left3A_444 = arith.constant 13 : i32
      %shift_left3A_445 = vector.broadcast %shift_left3A_444 : i32 to vector<16xi32>
      %shift_left3A_446 = arith.shli %shift_right_logical3A_443, %shift_left3A_445 : vector<16xi32>
      %mul3A_447 = arith.constant 2 : i32
      %mul3A_448 = vector.broadcast %mul3A_447 : i32 to vector<16xi32>
      %mul3A_449 = arith.muli %mul3A_448, %and3A_440 : vector<16xi32>
      %add3A_450 = arith.addi %shift_left3A_446, %mul3A_449 : vector<16xi32>
      %and3A_451 = arith.constant 1 : i32
      %and3A_452 = vector.broadcast %and3A_451 : i32 to vector<16xi32>
      %and3A_453 = arith.andi %shift_right_logical3A_437, %and3A_452 : vector<16xi32>
      %add3A_454 = arith.addi %add3A_450, %and3A_453 : vector<16xi32>
      %swap3A_455 = arith.constant 0 : i32
      %swap3A_456 = arith.index_cast %swap3A_455 : i32 to index
      %swap3A_457 = arith.constant 80 : index
      %swap3A_458 = tpu.vector_load %arg9[%swap3A_456, %swap3A_457] {strides = array<i32>} : memref<1x128xi32, #tpu.memory_space<vmem>>, vector<1x16xi32>,
      %swap3A_459 = vector.shape_cast %swap3A_458 : vector<1x16xi32> to vector<16xi32>
      %swap3A_460 = vector.shape_cast %add3A_454 : vector<16xi32> to vector<1x16xi32>
      tpu.vector_store %arg9[%swap3A_456, %swap3A_457], %swap3A_460 {strides = array<i32>} : memref<1x128xi32, #tpu.memory_space<vmem>>, vector<1x16xi32>,
      %iota3A_461 = tpu.iota {dimensions = array<i32: 0>} : vector<16xi32>
      %add3A_462 = arith.constant 96 : i32
      %add3A_463 = arith.addi %add3A_274, %add3A_462 : i32
      %add3A_464 = vector.broadcast %add3A_463 : i32 to vector<16xi32>
      %add3A_465 = arith.addi %iota3A_461, %add3A_464 : vector<16xi32>
      %shift_right_logical3A_466 = arith.constant 12 : i32
      %shift_right_logical3A_467 = vector.broadcast %shift_right_logical3A_466 : i32 to vector<16xi32>
      %shift_right_logical3A_468 = arith.shrui %add3A_465, %shift_right_logical3A_467 : vector<16xi32>
      %and3A_469 = arith.constant 4095 : i32
      %and3A_470 = vector.broadcast %and3A_469 : i32 to vector<16xi32>
      %and3A_471 = arith.andi %add3A_465, %and3A_470 : vector<16xi32>
      %shift_right_logical3A_472 = arith.constant 1 : i32
      %shift_right_logical3A_473 = vector.broadcast %shift_right_logical3A_472 : i32 to vector<16xi32>
      %shift_right_logical3A_474 = arith.shrui %shift_right_logical3A_468, %shift_right_logical3A_473 : vector<16xi32>
      %shift_left3A_475 = arith.constant 13 : i32
      %shift_left3A_476 = vector.broadcast %shift_left3A_475 : i32 to vector<16xi32>
      %shift_left3A_477 = arith.shli %shift_right_logical3A_474, %shift_left3A_476 : vector<16xi32>
      %mul3A_478 = arith.constant 2 : i32
      %mul3A_479 = vector.broadcast %mul3A_478 : i32 to vector<16xi32>
      %mul3A_480 = arith.muli %mul3A_479, %and3A_471 : vector<16xi32>
      %add3A_481 = arith.addi %shift_left3A_477, %mul3A_480 : vector<16xi32>
      %and3A_482 = arith.constant 1 : i32
      %and3A_483 = vector.broadcast %and3A_482 : i32 to vector<16xi32>
      %and3A_484 = arith.andi %shift_right_logical3A_468, %and3A_483 : vector<16xi32>
      %add3A_485 = arith.addi %add3A_481, %and3A_484 : vector<16xi32>
      %swap3A_486 = arith.constant 0 : i32
      %swap3A_487 = arith.index_cast %swap3A_486 : i32 to index
      %swap3A_488 = arith.constant 96 : index
      %swap3A_489 = tpu.vector_load %arg9[%swap3A_487, %swap3A_488] {strides = array<i32>} : memref<1x128xi32, #tpu.memory_space<vmem>>, vector<1x16xi32>,
      %swap3A_490 = vector.shape_cast %swap3A_489 : vector<1x16xi32> to vector<16xi32>
      %swap3A_491 = vector.shape_cast %add3A_485 : vector<16xi32> to vector<1x16xi32>
      tpu.vector_store %arg9[%swap3A_487, %swap3A_488], %swap3A_491 {strides = array<i32>} : memref<1x128xi32, #tpu.memory_space<vmem>>, vector<1x16xi32>,
      %iota3A_492 = tpu.iota {dimensions = array<i32: 0>} : vector<16xi32>
      %add3A_493 = arith.constant 112 : i32
      %add3A_494 = arith.addi %add3A_274, %add3A_493 : i32
      %add3A_495 = vector.broadcast %add3A_494 : i32 to vector<16xi32>
      %add3A_496 = arith.addi %iota3A_492, %add3A_495 : vector<16xi32>
      %shift_right_logical3A_497 = arith.constant 12 : i32
      %shift_right_logical3A_498 = vector.broadcast %shift_right_logical3A_497 : i32 to vector<16xi32>
      %shift_right_logical3A_499 = arith.shrui %add3A_496, %shift_right_logical3A_498 : vector<16xi32>
      %and3A_500 = arith.constant 4095 : i32
      %and3A_501 = vector.broadcast %and3A_500 : i32 to vector<16xi32>
      %and3A_502 = arith.andi %add3A_496, %and3A_501 : vector<16xi32>
      %shift_right_logical3A_503 = arith.constant 1 : i32
      %shift_right_logical3A_504 = vector.broadcast %shift_right_logical3A_503 : i32 to vector<16xi32>
      %shift_right_logical3A_505 = arith.shrui %shift_right_logical3A_499, %shift_right_logical3A_504 : vector<16xi32>
      %shift_left3A_506 = arith.constant 13 : i32
      %shift_left3A_507 = vector.broadcast %shift_left3A_506 : i32 to vector<16xi32>
      %shift_left3A_508 = arith.shli %shift_right_logical3A_505, %shift_left3A_507 : vector<16xi32>
      %mul3A_509 = arith.constant 2 : i32
      %mul3A_510 = vector.broadcast %mul3A_509 : i32 to vector<16xi32>
      %mul3A_511 = arith.muli %mul3A_510, %and3A_502 : vector<16xi32>
      %add3A_512 = arith.addi %shift_left3A_508, %mul3A_511 : vector<16xi32>
      %and3A_513 = arith.constant 1 : i32
      %and3A_514 = vector.broadcast %and3A_513 : i32 to vector<16xi32>
      %and3A_515 = arith.andi %shift_right_logical3A_499, %and3A_514 : vector<16xi32>
      %add3A_516 = arith.addi %add3A_512, %and3A_515 : vector<16xi32>
      %swap3A_517 = arith.constant 0 : i32
      %swap3A_518 = arith.index_cast %swap3A_517 : i32 to index
      %swap3A_519 = arith.constant 112 : index
      %swap3A_520 = tpu.vector_load %arg9[%swap3A_518, %swap3A_519] {strides = array<i32>} : memref<1x128xi32, #tpu.memory_space<vmem>>, vector<1x16xi32>,
      %swap3A_521 = vector.shape_cast %swap3A_520 : vector<1x16xi32> to vector<16xi32>
      %swap3A_522 = vector.shape_cast %add3A_516 : vector<16xi32> to vector<1x16xi32>
      tpu.vector_store %arg9[%swap3A_518, %swap3A_519], %swap3A_522 {strides = array<i32>} : memref<1x128xi32, #tpu.memory_space<vmem>>, vector<1x16xi32>,
      %dma_wait3A = arith.constant 0 : i32
      %dma_wait3A_523 = tpu.memref_slice %arg5[%mul3A_12, %dma_wait3A] : memref<50x128xi32, #tpu.memory_space<vmem>> -> memref<1x128xi32, #tpu.memory_space<vmem>>
      %dma_wait3A_524 = tpu.memref_squeeze %dma_wait3A_523 : memref<1x128xi32, #tpu.memory_space<vmem>> -> memref<128xi32, #tpu.memory_space<vmem>>
      %dma_wait3A_525 = arith.constant 0 : i32
      %dma_wait3A_526 = arith.constant 0 : i32
      %dma_wait3A_527 = tpu.memref_slice %arg2[%dma_wait3A_525, %dma_wait3A_526] : memref<100000x64xf32, #tpu.memory_space<hbm>> -> memref<100000x64xf32, #tpu.memory_space<hbm>>
      tpu.wait_indirect_dma semaphore(%arg10 : memref<!tpu.dma_semaphore, #tpu.memory_space<semaphore_mem>>) src(%dma_wait3A_527 : memref<100000x64xf32, #tpu.memory_space<hbm>>) dst(%arg6 : memref<128x64xf32, #tpu.memory_space<vmem>>)
      %dma_start3A_528 = arith.constant 0 : i32
      %dma_start3A_529 = arith.constant 0 : i32
      %dma_start3A_530 = tpu.memref_slice %arg8[%dma_start3A_528, %dma_start3A_529] : memref<1x128xi32, #tpu.memory_space<vmem>> -> memref<1x128xi32, #tpu.memory_space<vmem>>
      %dma_start3A_531 = tpu.memref_squeeze %dma_start3A_530 : memref<1x128xi32, #tpu.memory_space<vmem>> -> memref<128xi32, #tpu.memory_space<vmem>>
      %dma_start3A_532 = arith.constant 0 : i32
      %dma_start3A_533 = arith.constant 0 : i32
      %dma_start3A_534 = tpu.memref_slice %arg4[%dma_start3A_532, %dma_start3A_533] : memref<204800x64xf32, #tpu.memory_space<hbm>> -> memref<204800x64xf32, #tpu.memory_space<hbm>>
      tpu.enqueue_indirect_dma source(%arg6 : memref<128x64xf32, #tpu.memory_space<vmem>>) target(%dma_start3A_534 : memref<204800x64xf32, #tpu.memory_space<hbm>>) offsets(%dma_start3A_531 : memref<128xi32, #tpu.memory_space<vmem>>) semaphore(%arg12 : memref<!tpu.dma_semaphore, #tpu.memory_space<semaphore_mem>>)
      %dma_wait3A_535 = arith.constant 0 : i32
      %dma_wait3A_536 = tpu.memref_slice %arg5[%add3A_14, %dma_wait3A_535] : memref<50x128xi32, #tpu.memory_space<vmem>> -> memref<1x128xi32, #tpu.memory_space<vmem>>
      %dma_wait3A_537 = tpu.memref_squeeze %dma_wait3A_536 : memref<1x128xi32, #tpu.memory_space<vmem>> -> memref<128xi32, #tpu.memory_space<vmem>>
      %dma_wait3A_538 = arith.constant 0 : i32
      %dma_wait3A_539 = arith.constant 0 : i32
      %dma_wait3A_540 = tpu.memref_slice %arg2[%dma_wait3A_538, %dma_wait3A_539] : memref<100000x64xf32, #tpu.memory_space<hbm>> -> memref<100000x64xf32, #tpu.memory_space<hbm>>
      tpu.wait_indirect_dma semaphore(%arg11 : memref<!tpu.dma_semaphore, #tpu.memory_space<semaphore_mem>>) src(%dma_wait3A_540 : memref<100000x64xf32, #tpu.memory_space<hbm>>) dst(%arg7 : memref<128x64xf32, #tpu.memory_space<vmem>>)
      %dma_start3A_541 = arith.constant 0 : i32
      %dma_start3A_542 = arith.constant 0 : i32
      %dma_start3A_543 = tpu.memref_slice %arg9[%dma_start3A_541, %dma_start3A_542] : memref<1x128xi32, #tpu.memory_space<vmem>> -> memref<1x128xi32, #tpu.memory_space<vmem>>
      %dma_start3A_544 = tpu.memref_squeeze %dma_start3A_543 : memref<1x128xi32, #tpu.memory_space<vmem>> -> memref<128xi32, #tpu.memory_space<vmem>>
      %dma_start3A_545 = arith.constant 0 : i32
      %dma_start3A_546 = arith.constant 0 : i32
      %dma_start3A_547 = tpu.memref_slice %arg4[%dma_start3A_545, %dma_start3A_546] : memref<204800x64xf32, #tpu.memory_space<hbm>> -> memref<204800x64xf32, #tpu.memory_space<hbm>>
      tpu.enqueue_indirect_dma source(%arg7 : memref<128x64xf32, #tpu.memory_space<vmem>>) target(%dma_start3A_547 : memref<204800x64xf32, #tpu.memory_space<hbm>>) offsets(%dma_start3A_544 : memref<128xi32, #tpu.memory_space<vmem>>) semaphore(%arg13 : memref<!tpu.dma_semaphore, #tpu.memory_space<semaphore_mem>>)
      %dma_wait3A_548 = arith.constant 0 : i32
      %dma_wait3A_549 = arith.constant 0 : i32
      %dma_wait3A_550 = tpu.memref_slice %arg8[%dma_wait3A_548, %dma_wait3A_549] : memref<1x128xi32, #tpu.memory_space<vmem>> -> memref<1x128xi32, #tpu.memory_space<vmem>>
      %dma_wait3A_551 = tpu.memref_squeeze %dma_wait3A_550 : memref<1x128xi32, #tpu.memory_space<vmem>> -> memref<128xi32, #tpu.memory_space<vmem>>
      %dma_wait3A_552 = arith.constant 0 : i32
      %dma_wait3A_553 = arith.constant 0 : i32
      %dma_wait3A_554 = tpu.memref_slice %arg4[%dma_wait3A_552, %dma_wait3A_553] : memref<204800x64xf32, #tpu.memory_space<hbm>> -> memref<204800x64xf32, #tpu.memory_space<hbm>>
      tpu.wait_indirect_dma semaphore(%arg12 : memref<!tpu.dma_semaphore, #tpu.memory_space<semaphore_mem>>) src(%arg6 : memref<128x64xf32, #tpu.memory_space<vmem>>) dst(%dma_wait3A_554 : memref<204800x64xf32, #tpu.memory_space<hbm>>)
      %dma_wait3A_555 = arith.constant 0 : i32
      %dma_wait3A_556 = arith.constant 0 : i32
      %dma_wait3A_557 = tpu.memref_slice %arg9[%dma_wait3A_555, %dma_wait3A_556] : memref<1x128xi32, #tpu.memory_space<vmem>> -> memref<1x128xi32, #tpu.memory_space<vmem>>
      %dma_wait3A_558 = tpu.memref_squeeze %dma_wait3A_557 : memref<1x128xi32, #tpu.memory_space<vmem>> -> memref<128xi32, #tpu.memory_space<vmem>>
      %dma_wait3A_559 = arith.constant 0 : i32
      %dma_wait3A_560 = arith.constant 0 : i32
      %dma_wait3A_561 = tpu.memref_slice %arg4[%dma_wait3A_559, %dma_wait3A_560] : memref<204800x64xf32, #tpu.memory_space<hbm>> -> memref<204800x64xf32, #tpu.memory_space<hbm>>
      tpu.wait_indirect_dma semaphore(%arg13 : memref<!tpu.dma_semaphore, #tpu.memory_space<semaphore_mem>>) src(%arg7 : memref<128x64xf32, #tpu.memory_space<vmem>>) dst(%dma_wait3A_561 : memref<204800x64xf32, #tpu.memory_space<hbm>>)
    }
    %scan3A_9 = arith.constant 25 : i32
    return
  }
}

module attributes {stable_mosaic.version = 14 : i64} {
  func.func @_fmt_idx_body(%arg0: memref<50x4096xi32, #tpu.memory_space<vmem>>, %arg1: memref<1600x128xi32, #tpu.memory_space<vmem>>, %arg2: memref<50x32x128xi32, #tpu.memory_space<vmem>>) attributes {dimension_semantics = [], scalar_prefetch = 0 : i64, scratch_operands = 1 : i64, tpu.core_type = #tpu.core_type<tc>} {
    %get3A = arith.constant 0 : index
    %get3A_0 = arith.constant 0 : index
    %get3A_1 = vector.load %arg0[%get3A, %get3A_0] : memref<50x4096xi32, #tpu.memory_space<vmem>>, vector<50x4096xi32>
    %reshape3A = vector.shape_cast %get3A_1 : vector<50x4096xi32> to vector<50x32x128xi32>
    %swap3A = arith.constant 0 : index
    %swap3A_2 = arith.constant 0 : index
    %swap3A_3 = arith.constant 0 : index
    %swap3A_4 = vector.load %arg2[%swap3A, %swap3A_2, %swap3A_3] : memref<50x32x128xi32, #tpu.memory_space<vmem>>, vector<50x32x128xi32>
    tpu.vector_store %arg2[%swap3A, %swap3A_2, %swap3A_3], %reshape3A {strides = array<i32>} : memref<50x32x128xi32, #tpu.memory_space<vmem>>, vector<50x32x128xi32>,
    %get3A_5 = arith.constant 0 : index
    %get3A_6 = arith.constant 0 : index
    %get3A_7 = arith.constant 0 : index
    %get3A_8 = vector.load %arg2[%get3A_5, %get3A_6, %get3A_7] : memref<50x32x128xi32, #tpu.memory_space<vmem>>, vector<50x32x128xi32>
    %reshape3A_9 = vector.shape_cast %get3A_8 : vector<50x32x128xi32> to vector<1600x128xi32>
    %swap3A_10 = arith.constant 0 : index
    %swap3A_11 = arith.constant 0 : index
    %swap3A_12 = vector.load %arg1[%swap3A_10, %swap3A_11] : memref<1600x128xi32, #tpu.memory_space<vmem>>, vector<1600x128xi32>
    tpu.vector_store %arg1[%swap3A_10, %swap3A_11], %reshape3A_9 {strides = array<i32>} : memref<1600x128xi32, #tpu.memory_space<vmem>>, vector<1600x128xi32>,
    return
  }
}

module attributes {stable_mosaic.version = 14 : i64} {
  func.func @_assemble_body(%arg0: i32, %arg1: memref<4096x128xf32, #tpu.memory_space<vmem>>, %arg2: memref<50x4096xi32, #tpu.memory_space<vmem>>, %arg3: memref<1x64xi32, #tpu.memory_space<vmem>>, %arg4: memref<64x64xf32, #tpu.memory_space<vmem>>, %arg5: memref<64x64xf32, #tpu.memory_space<vmem>>, %arg6: memref<2x64x4096xf32, #tpu.memory_space<vmem>>) attributes {dimension_semantics = [#tpu.dimension_semantics<arbitrary>], iteration_bounds = array<i64: 25>, scalar_prefetch = 0 : i64, scratch_operands = 0 : i64, tpu.core_type = #tpu.core_type<tc>, window_params = [{transform_indices = @transform_0, window_bounds = array<i64: 4096, 128>}, {pipeline_mode = #tpu.pipeline_mode<synchronous>, transform_indices = @transform_1, window_bounds = array<i64: 50, 4096>}, {pipeline_mode = #tpu.pipeline_mode<synchronous>, transform_indices = @transform_2, window_bounds = array<i64: 1, 64>}, {pipeline_mode = #tpu.pipeline_mode<synchronous>, transform_indices = @transform_3, window_bounds = array<i64: 64, 64>}, {pipeline_mode = #tpu.pipeline_mode<synchronous>, transform_indices = @transform_4, window_bounds = array<i64: 64, 64>}, {transform_indices = @transform_5, window_bounds = array<i64: 2, 64, 4096>}]} {
    %get3A = arith.constant 0 : index
    %get3A_0 = arith.constant 0 : index
    %get3A_1 = vector.load %arg4[%get3A, %get3A_0] : memref<64x64xf32, #tpu.memory_space<vmem>>, vector<64x64xf32>
    %get3A_2 = arith.constant 0 : index
    %get3A_3 = arith.constant 0 : index
    %get3A_4 = vector.load %arg5[%get3A_2, %get3A_3] : memref<64x64xf32, #tpu.memory_space<vmem>>, vector<64x64xf32>
    %dot_general3A = arith.constant dense<0.000000e+00> : vector<64x64xf32>
    %dot_general3A_5 = tpu.matmul %get3A_1, %get3A_4, %dot_general3A {dimension_numbers = #tpu.dot_dimension_numbers<[1], [1], [0], [0], [0, 0, 1, 0], [], []>, precision = #tpu.contract_precision<fp32>, transpose_lhs_hint = false} : vector<64x64xf32>, vector<64x64xf32>, vector<64x64xf32> -> vector<64x64xf32>
    %get3A_6 = arith.constant 0 : index
    %get3A_7 = arith.constant 0 : index
    %get3A_8 = vector.load %arg3[%get3A_6, %get3A_7] : memref<1x64xi32, #tpu.memory_space<vmem>>, vector<1x64xi32>
    %transpose3A = tpu.transpose %get3A_8, [1, 0] : vector<1x64xi32> -> vector<64x1xi32>
    %get3A_9 = arith.constant 0 : index
    %get3A_10 = arith.constant 0 : index
    %get3A_11 = vector.load %arg1[%get3A_9, %get3A_10] : memref<4096x128xf32, #tpu.memory_space<vmem>>, vector<4096x128xf32>
    %mul3A = arith.constant 2 : i32
    %mul3A_12 = arith.muli %mul3A, %arg0 : i32
    %add3A = arith.constant 0 : i32
    %add3A_13 = arith.addi %mul3A_12, %add3A : i32
    %get3A_14 = arith.index_cast %add3A_13 : i32 to index
    %get3A_15 = arith.constant 0 : index
    %get3A_16 = vector.load %arg2[%get3A_14, %get3A_15] : memref<50x4096xi32, #tpu.memory_space<vmem>>, vector<1x4096xi32>
    %eq3A = vector.broadcast %transpose3A : vector<64x1xi32> to vector<64x4096xi32>
    %eq3A_17 = vector.broadcast %get3A_16 : vector<1x4096xi32> to vector<64x4096xi32>
    %eq3A_18 = arith.cmpi eq, %eq3A, %eq3A_17 : vector<64x4096xi32>
    %convert_element_type3A = arith.extui %eq3A_18 : vector<64x4096xi1> to vector<64x4096xi32>
    %convert_element_type3A_19 = arith.sitofp %convert_element_type3A : vector<64x4096xi32> to vector<64x4096xf32>
    %dot_general3A_20 = arith.constant dense<0.000000e+00> : vector<64x4096xf32>
    %dot_general3A_21 = tpu.matmul %dot_general3A_5, %convert_element_type3A_19, %dot_general3A_20 {dimension_numbers = #tpu.dot_dimension_numbers<[0], [0], [1], [1], [0, 1, 1, 1], [], []>, precision = #tpu.contract_precision<fp32>, transpose_lhs_hint = false} : vector<64x64xf32>, vector<64x4096xf32>, vector<64x4096xf32> -> vector<64x4096xf32>
    %slice3A = vector.extract_strided_slice %get3A_11 {offsets = [0, 0], sizes = [4096, 64], strides = [1, 1]} : vector<4096x128xf32> to vector<4096x64xf32>
    %transpose3A_22 = tpu.transpose %slice3A, [1, 0] : vector<4096x64xf32> -> vector<64x4096xf32>
    %add3A_23 = arith.addf %transpose3A_22, %dot_general3A_21 : vector<64x4096xf32>
    %swap3A = arith.constant 0 : index
    %swap3A_24 = arith.constant 0 : index
    %swap3A_25 = arith.constant 0 : index
    %swap3A_26 = vector.load %arg6[%swap3A, %swap3A_24, %swap3A_25] : memref<2x64x4096xf32, #tpu.memory_space<vmem>>, vector<1x64x4096xf32>
    %swap3A_27 = vector.shape_cast %swap3A_26 : vector<1x64x4096xf32> to vector<64x4096xf32>
    %swap3A_28 = vector.shape_cast %add3A_23 : vector<64x4096xf32> to vector<1x64x4096xf32>
    tpu.vector_store %arg6[%swap3A, %swap3A_24, %swap3A_25], %swap3A_28 {strides = array<i32>} : memref<2x64x4096xf32, #tpu.memory_space<vmem>>, vector<1x64x4096xf32>,
    %mul3A_29 = arith.constant 2 : i32
    %mul3A_30 = arith.muli %mul3A_29, %arg0 : i32
    %add3A_31 = arith.constant 1 : i32
    %add3A_32 = arith.addi %mul3A_30, %add3A_31 : i32
    %get3A_33 = arith.index_cast %add3A_32 : i32 to index
    %get3A_34 = arith.constant 0 : index
    %get3A_35 = vector.load %arg2[%get3A_33, %get3A_34] : memref<50x4096xi32, #tpu.memory_space<vmem>>, vector<1x4096xi32>
    %eq3A_36 = vector.broadcast %transpose3A : vector<64x1xi32> to vector<64x4096xi32>
    %eq3A_37 = vector.broadcast %get3A_35 : vector<1x4096xi32> to vector<64x4096xi32>
    %eq3A_38 = arith.cmpi eq, %eq3A_36, %eq3A_37 : vector<64x4096xi32>
    %convert_element_type3A_39 = arith.extui %eq3A_38 : vector<64x4096xi1> to vector<64x4096xi32>
    %convert_element_type3A_40 = arith.sitofp %convert_element_type3A_39 : vector<64x4096xi32> to vector<64x4096xf32>
    %dot_general3A_41 = arith.constant dense<0.000000e+00> : vector<64x4096xf32>
    %dot_general3A_42 = tpu.matmul %dot_general3A_5, %convert_element_type3A_40, %dot_general3A_41 {dimension_numbers = #tpu.dot_dimension_numbers<[0], [0], [1], [1], [0, 1, 1, 1], [], []>, precision = #tpu.contract_precision<fp32>, transpose_lhs_hint = false} : vector<64x64xf32>, vector<64x4096xf32>, vector<64x4096xf32> -> vector<64x4096xf32>
    %slice3A_43 = vector.extract_strided_slice %get3A_11 {offsets = [0, 64], sizes = [4096, 64], strides = [1, 1]} : vector<4096x128xf32> to vector<4096x64xf32>
    %transpose3A_44 = tpu.transpose %slice3A_43, [1, 0] : vector<4096x64xf32> -> vector<64x4096xf32>
    %add3A_45 = arith.addf %transpose3A_44, %dot_general3A_42 : vector<64x4096xf32>
    %swap3A_46 = arith.constant 1 : index
    %swap3A_47 = arith.constant 0 : index
    %swap3A_48 = arith.constant 0 : index
    %swap3A_49 = vector.load %arg6[%swap3A_46, %swap3A_47, %swap3A_48] : memref<2x64x4096xf32, #tpu.memory_space<vmem>>, vector<1x64x4096xf32>
    %swap3A_50 = vector.shape_cast %swap3A_49 : vector<1x64x4096xf32> to vector<64x4096xf32>
    %swap3A_51 = vector.shape_cast %add3A_45 : vector<64x4096xf32> to vector<1x64x4096xf32>
    tpu.vector_store %arg6[%swap3A_46, %swap3A_47, %swap3A_48], %swap3A_51 {strides = array<i32>} : memref<2x64x4096xf32, #tpu.memory_space<vmem>>, vector<1x64x4096xf32>,
    return
  }
  func.func @transform_0(%arg0: i32) -> (i32, i32) {
    %c0_i32 = arith.constant 0 : i32
    %c0_i32_0 = arith.constant 0 : i32
    return %arg0, %c0_i32 : i32, i32
  }
  func.func @transform_1(%arg0: i32) -> (i32, i32) {
    %c0_i32 = arith.constant 0 : i32
    %c0_i32_0 = arith.constant 0 : i32
    %c0_i32_1 = arith.constant 0 : i32
    return %c0_i32, %c0_i32_0 : i32, i32
  }
  func.func @transform_2(%arg0: i32) -> (i32, i32) {
    %c0_i32 = arith.constant 0 : i32
    %c0_i32_0 = arith.constant 0 : i32
    %c0_i32_1 = arith.constant 0 : i32
    return %c0_i32, %c0_i32_0 : i32, i32
  }
  func.func @transform_3(%arg0: i32) -> (i32, i32) {
    %c0_i32 = arith.constant 0 : i32
    %c0_i32_0 = arith.constant 0 : i32
    %c0_i32_1 = arith.constant 0 : i32
    return %c0_i32, %c0_i32_0 : i32, i32
  }
  func.func @transform_4(%arg0: i32) -> (i32, i32) {
    %c0_i32 = arith.constant 0 : i32
    %c0_i32_0 = arith.constant 0 : i32
    %c0_i32_1 = arith.constant 0 : i32
    return %c0_i32, %c0_i32_0 : i32, i32
  }
  func.func @transform_5(%arg0: i32) -> (i32, i32, i32) {
    %c0_i32 = arith.constant 0 : i32
    %c0_i32_0 = arith.constant 0 : i32
    %c0_i32_1 = arith.constant 0 : i32
    return %arg0, %c0_i32, %c0_i32_0 : i32, i32, i32
  }
}

</mosaic_0001>

<sc_bundles>
// kernel: kernel.5.cloned.1.call-start
scs
__scs_entry_jumppad:
0x0: {  	(pc) =	sbr.rel $0x88, $3  }
0x1: {  	(tag) =	ssettag $0x0;
	lr =	simm.s32 $0x1  }
0x2: {  	[smem:$0x3F9B] =	sst lr;
	_ =	strace $0xD0000000  }
0x3: {  	_ = 	snop  }
0x4: {  	_ = 	snop  }
0x5: {  	_ = 	snop  }
0x6: {  	_ = 	snop  }
0x7: {  	_ = 	snop  }
__scs_overlays_trampoline_lowered:
0x8: {  	[smem:$0x3FAA] =	sst s0  }
0x9: {  	[smem:$0x3FAB] =	sst s1  }
0xa: {  	[smem:$0x3FAC] =	sst s2  }
0xb: {  	[smem:$0x3FAD] =	sst s3  }
0xc: {  	[smem:$0x3FAE] =	sst s4  }
0xd: {  	[smem:$0x3FAF] =	sst s5  }
0xe: {  	[smem:$0x3FB0] =	sst s6  }
0xf: {  	[smem:$0x3FB1] =	sst s7  }
0x10: {  	[smem:$0x3FB2] =	sst s8  }
0x11: {  	[smem:$0x3FB3] =	sst s9;
	s0 =	simm.s32 @!p0 $0x0  }
0x12: {  	s1 =	sld [smem:$0x3F99];
	s0 =	simm.s32 @p0 $0x1  }
0x13: {  	[smem:$0x3FB4] =	sst s0;
	s0 =	simm.s32 @!p1 $0x0  }
0x14: {  	s2 =	sld [smem:$0x3F98];
	s0 =	simm.s32 @p1 $0x1  }
0x15: {  	[smem:$0x3FB5] =	sst s0;
	s0 =	simm.s32 @!p2 $0x0  }
0x16: {  	s3 =	sld [smem:$0x3FDB];
	s0 =	simm.s32 @p2 $0x1  }
0x17: {  	s4 =	simm.s32 $0x1BF5;
	[smem:$0x3FB7] =	sst s0  }
0x18: {  	s0 =	sld [smem:$0x3F9A];
	_ =	swait.ge [sflag:s4], $0x0  }
0x19: {  	s7 =	sld [smem:$0x3F9B]  }
0x1a: {  	s8 =	sadd.s32 $0xFFFFE003, lr  }
0x1b: {  	s9 =	sadd.s32 $0xFFFFFEF7, lr;
	s5 =	simm.s32 $0xFFFFFFFF;
	p2 =	slt.u32 s8, $0xFFFFF086  }
0x1c: {  	p1 =	slt.u32 s9, $0xF7A;
	s5 =	simm.s32 @!p2 $0x0  }
0x1d: {  	s5 =	simm.s32 @p1 $0x1;
	p0 =	seq.s32 s7, s2  }
0x1e: {  	s7 =	smul.u32 @!p0 $0xF7A, s2;
	p2 =	seq.s32 @!p0 s5, $0x0  }
0x1f: {  	s9 =	smul.u32 $0xF7A, s1;
	s8 =	simm.s32 @!p0 $0x1BF5;
	p2 =	por !p2, p0  }
0x20: {  	[sflag:s8] =	ssyncset.s32 @!p0 $0xFFFFF086;
	s6 =	sadd.s32 @!p0 s3, s7;
	s7 =	simm.s32 @!p0 $0x108  }
0x21: {  	s3 =	sadd.s32 s3, s9;
	s6 =	sadd.s32 @!p0 $0x88, s6;
	s7 =	simm.s32 @p2 $0x1082  }
0x22: {  	[simem:s7], [sflag:s8] =	dma.local @!p0 [hbm:s6], $0xF7A  }
0x23: {  	s9 =	sor.u32 $0xD0000000, s2;
	s6 =	simm.s32 $0x108;
	_ =	swait.ge @!p0 [sflag:s8], $0x0  }
0x24: {  	s3 =	sadd.s32 $0x88, s3;
	s6 =	simm.s32 @!p1 $0x1082;
	[sflag:s4] =	ssyncset.s32 $0xFFFFF086  }
0x25: {  	[simem:s6], [sflag:s4] =	dma.local [hbm:s3], $0xF7A  }
0x26: {  	[smem:$0x3F9B] =	sst s1;
	(tag) =	ssettag s2;
	_ =	strace s9  }
0x27: {  	s1 =	sld [smem:$0x3FAB]  }
0x28: {  	s2 =	sld [smem:$0x3FAC]  }
0x29: {  	s4 =	sld [smem:$0x3FAE]  }
0x2a: {  	p0 =	seq.s32 s5, $0x0;
	s5 =	sld [smem:$0x3FAF]  }
0x2b: {  	s6 =	sld [smem:$0x3FB0]  }
0x2c: {  	s7 =	sld [smem:$0x3FB1]  }
0x2d: {  	s3 =	simm.s32 $0x108;
	s8 =	sld [smem:$0x3FB2]  }
0x2e: {  	s3 =	simm.s32 @!p0 $0x1082;
	s9 =	sld [smem:$0x3FB3]  }
0x2f: {  	lr =	sadd.s32 s0, s3;
	s0 =	sld [smem:$0x3FAA]  }
0x30: {  	s3 =	sld [smem:$0x3FAD]  }
0x31: {  	[smem:$0x3FB6] =	sst s10  }
0x32: {  	s10 =	sld [smem:$0x3FB4];
	_ =	sdelay $0x3  }
0x33: {  	p0 =	seq.s32 s10, $0x1;
	s10 =	sld [smem:$0x3FB6];
	_ =	sdelay $0x3  }
0x34: {  	[smem:$0x3FB6] =	sst s10  }
0x35: {  	s10 =	sld [smem:$0x3FB5];
	_ =	sdelay $0x3  }
0x36: {  	p1 =	seq.s32 s10, $0x1;
	s10 =	sld [smem:$0x3FB6];
	_ =	sdelay $0x3  }
0x37: {  	[smem:$0x3FB6] =	sst s10  }
0x38: {  	s10 =	sld [smem:$0x3FB7]  }
0x39: {  	_ = 	snop;
	(pc) =	sbr.ind lr, $3  }
0x3a: {  	_ = 	snop  }
0x3b: {  	_ = 	snop  }
0x3c: {  	p2 =	seq.s32 s10, $0x1;
	s10 =	sld [smem:$0x3FB6]  }
0x3d: {  	_ =	shalt  }
0x3e: {  	_ =	shalt  }
0x3f: {  	_ =	shalt  }
0x40: {  	_ =	shalt  }
0x41: {  	_ =	shalt  }
0x42: {  	_ =	shalt  }
0x43: {  	_ =	shalt  }
0x44: {  	_ =	shalt  }
0x45: {  	_ =	shalt  }
0x46: {  	_ =	shalt  }
0x47: {  	_ =	shalt  }
0x48: {  	_ =	shalt  }
0x49: {  	_ =	shalt  }
0x4a: {  	_ =	shalt  }
0x4b: {  	_ =	shalt  }
0x4c: {  	_ =	shalt  }
0x4d: {  	_ =	shalt  }
0x4e: {  	_ =	shalt  }
0x4f: {  	_ =	shalt  }
0x50: {  	_ =	shalt  }
0x51: {  	_ =	shalt  }
0x52: {  	_ =	shalt  }
0x53: {  	_ =	shalt  }
0x54: {  	_ =	shalt  }
0x55: {  	_ =	shalt  }
0x56: {  	_ =	shalt  }
0x57: {  	_ =	shalt  }
0x58: {  	_ =	shalt  }
0x59: {  	_ =	shalt  }
0x5a: {  	_ =	shalt  }
0x5b: {  	_ =	shalt  }
0x5c: {  	_ =	shalt  }
0x5d: {  	_ =	shalt  }
0x5e: {  	_ =	shalt  }
0x5f: {  	_ =	shalt  }
0x60: {  	_ =	shalt  }
0x61: {  	_ =	shalt  }
0x62: {  	_ =	shalt  }
0x63: {  	_ =	shalt  }
0x64: {  	_ =	shalt  }
0x65: {  	_ =	shalt  }
0x66: {  	_ =	shalt  }
0x67: {  	_ =	shalt  }
0x68: {  	_ =	shalt  }
0x69: {  	_ =	shalt  }
0x6a: {  	_ =	shalt  }
0x6b: {  	_ =	shalt  }
0x6c: {  	_ =	shalt  }
0x6d: {  	_ =	shalt  }
0x6e: {  	_ =	shalt  }
0x6f: {  	_ =	shalt  }
0x70: {  	_ =	shalt  }
0x71: {  	_ =	shalt  }
0x72: {  	_ =	shalt  }
0x73: {  	_ =	shalt  }
0x74: {  	_ =	shalt  }
0x75: {  	_ =	shalt  }
0x76: {  	_ =	shalt  }
0x77: {  	_ =	shalt  }
0x78: {  	_ =	shalt  }
0x79: {  	_ =	shalt  }
0x7a: {  	_ =	shalt  }
0x7b: {  	_ =	shalt  }
0x7c: {  	_ =	shalt  }
0x7d: {  	_ =	shalt  }
0x7e: {  	_ =	shalt  }
0x7f: {  	_ =	shalt  }
0x80: {  	_ =	shalt  }
0x81: {  	_ =	shalt  }
0x82: {  	_ =	shalt  }
0x83: {  	_ =	shalt  }
0x84: {  	_ =	shalt  }
0x85: {  	_ =	shalt  }
0x86: {  	_ =	shalt  }
0x87: {  	_ =	shalt  }
.Lfunc_end0:
.L_simem_size_0:
called_computation.1_lowered:
.L_overlay_start_0:
0x88: {  	s2 =	sld [smem:$0x3FD9]  }
0x89: {  	s3 =	sld [smem:$0x3FFE];
	_ =	sdelay $0x1  }
0x8a: {  	s1 =	srdreg.scid  }
0x8b: {  	s0 =	sand.u32 $0x1, s1  }
0x8c: {  	s17 =	sshll.u32 s0, $0xA;
	s2 =	sadd.s32 s3, s2  }
0x8d: {  	s2 =	sadd.s32 s2, s17  }
0x8e: {  	[smem:$0x3FC2] =	sst s2  }
0x8f: {  	_ = 	snop  }
0x90: {  	(tm) =	ssettm $0x1  }
0x91: {  	s18 =	sld [smem:$0x3FFB];
	_ =	sdelay $0x3  }
0x92: {  	_ =	strace s18  }
0x93: {  	s2 =	sld [smem:$0x3FFC];
	_ =	sdelay $0x3  }
0x94: {  	_ =	strace s2  }
0x95: {  	s2 =	sld [smem:$0x3FFD];
	_ =	sdelay $0x3  }
0x96: {  	_ =	strace s2  }
0x97: {  	_ =	strace $0x8FFFFFFF  }
0x98: {  	s19 =	sld [smem:$0x3FDB];
	_ =	sdelay $0x1  }
0x99: {  	s20 =	simm.s32 $_scs_section_size  }
0x9a: {  	s4 =	simm.s32 $_size__tile_overlayer_lowered;
	s5 =	simm.s32 $_tile_overlayer_lowered  }
0x9b: {  	s6 =	simm.s32 $0x1BFF;
	s21 =	sshll.u32 s5, $0x1;
	s3 =	sadd.s32 s20, s19  }
0x9c: {  	s22 =	simm.s32 $0x0;
	s4 =	sshll.u32 s4, $0x1;
	s5 =	sadd.s32 s21, s3  }
0x9d: {  	[timem:s22], [sflag:s6] =	dma.local [hbm:s5], s4  }
0x9e: {  	_ =	swait.ge [sflag:s6], s4  }
0x9f: {  	s4 =	ssub.s32 $0x0, s4;
	[sflag:s6] =	ssyncset.done $0x0  }
0xa0: {  	[sflag:s6] =	ssyncadd.s32 s4;
	_ =	sdelay $0x1  }
0xa1: {  	s23 =	simm.s32 $0x1B8B  }
0xa2: {  	_ =	swait.ge [sflag:s23], $0x1  }
0xa3: {  	[sflag:s23] =	ssyncset.done $0x0  }
0xa4: {  	[sflag:s23] =	ssyncadd.s32 $0xFFFFFFFF  }
0xa5: {  	s4 =	sld [smem:$0x0]  }
0xa6: {  	s5 =	sand.u32 $0xFFFFFFFE, s1  }
0xa7: {  	p0 =	sne.s32 s1, s5  }
0xa8: {  	s5 =	sshll.u32 @p0 s5, $0xE  }
0xa9: {  	s5 =	sadd.s32 @p0 $0x11B8D, s5;
	s6 =	sshll.u32 @p0 s4, $0x11  }
0xaa: {  	s5 =	sor.u32 @p0 s6, s5  }
0xab: {  	[sflag:s5] =	ssyncadd.remote.s32 @p0 $0x1;
	_ =	sdelay $0x1  }
0xac: {  	s5 =	simm.s32 @p0 $0x1B8D  }
0xad: {  	_ =	swait.eq @p0 [sflag:s5], $0x1  }
0xae: {  	[sflag:s5] =	ssyncadd.s32 @p0 $0xFFFFFFFF  }
0xaf: {  	s6 =	sshll.u32 @!p0 s1, $0xE  }
0xb0: {  	s6 =	sor.u32 @!p0 $0x4000, s6;
	s5 =	simm.s32 @!p0 $0x1B8D  }
0xb1: {  	s4 =	sshll.u32 @!p0 s4, $0x11;
	s6 =	sadd.s32 @!p0 $0x11B8D, s6;
	_ =	swait.eq @!p0 [sflag:s5], $0x1  }
0xb2: {  	s4 =	sor.u32 @!p0 s4, s6;
	[sflag:s5] =	ssyncadd.s32 @!p0 $0xFFFFFFFF  }
0xb3: {  	s25 =	simm.s32 $0x1B8E;
	s24 =	sld [smem:$0x3FFE];
	[sflag:s4] =	ssyncadd.remote.s32 @!p0 $0x1  }
0xb4: {  	s26 =	simm.s32 $execute0_lowered;
	[smem:$0x3FD2] =	sst s25  }
0xb5: {  	s5 =	sshll.u32 s26, $0x1;
	_ =	strace $0x80000049;
	[dreg:$0x1] =	wrdreg $0xFFFFFFFF  }
0xb6: {  	s28 =	simm.s32 $_size_execute0_lowered;
	s3 =	sadd.s32 s3, s5;
	[dreg:$0x0] =	wrdreg $0x0  }
0xb7: {  	s5 =	sshll.u32 s28, $0x1;
	[dreg:$0x2] =	wrdreg s3  }
0xb8: {  	[dreg:$0x3] =	wrdreg s5  }
0xb9: {  	[dreg:$0x4] =	wrdreg $0xC0  }
0xba: {  	_ =	task [dreg:s22], $0x5FFFF  }
0xbb: {  	[dreg:$0x1] =	wrdreg $0xFFFFFFFF  }
0xbc: {  	[dreg:$0x0] =	wrdreg $0x60  }
0xbd: {  	[dreg:$0x2] =	wrdreg s24  }
0xbe: {  	[dreg:$0x3] =	wrdreg $0xA  }
0xbf: {  	_ =	task.clear_ibuf [dreg:s22], $0x4FFFF;
	_ =	strace $0x90000049  }
0xc0: {  	s29 =	simm.s32 $0xA;
	_ =	strace $0x8000004B  }
0xc1: {  	_ =	swait.ge [sflag:s29], $0x1  }
0xc2: {  	[sflag:s29] =	ssyncadd.s32 $0xFFFFFFFF  }
0xc3: {  	_ =	strace $0x9000004B  }
0xc4: {  	_ =	sfence  }
0xc5: {  	s30 =	sld [smem:$0x0];
	_ =	sdelay $0x2  }
0xc6: {  	s31 =	sshll.u32 s1, $0xD;
	s1 =	sshrl.u32 s1, $0x2  }
0xc7: {  	s4 =	sand.u32 $0x4000, s31;
	s1 =	sadd.s32 s1, s30  }
0xc8: {  	s0 =	sor.u32 s4, s0;
	s1 =	sshll.u32 s1, $0x11  }
0xc9: {  	s0 =	sor.u32 s1, s0  }
0xca: {  	s0 =	sadd.s32 $0x8F2B, s0  }
0xcb: {  	[sflag:s0] =	ssyncadd.remote.s32 $0x1  }
0xcc: {  	_ =	sfence.sel $0xFFFF  }
0xcd: {  	[dreg:$0x0] =	wrdreg $0xFFFFFFFF;
	(pc) =	sbr.abs _section_cstart, $3  }
0xce: {  	[dreg:$0x1] =	wrdreg $0xFFFFFFFF  }
0xcf: {  	_ =	task.clear_ibuf [dreg:s22], $0x2FFFF;
	_ =	strace $0x9FFFFFFF  }
0xd0: {  	(tm) =	ssettm $0x7FFFFFFF  }
0xd1: {  	_ =	shalt  }
tec
execute0_lowered:
.L_overlay_start_1:
0x0: {  	(tag) =	ssettag $0x1  }
0x1: {  	s4 =	rddreg [dreg:$0x0]  }
0x2: {  	s0 =	rddreg [dreg:$0x1];
	s3 =	srdreg.scid  }
0x3: {  	s1 =	stileid.u32;
	s2 =	simm.s32 $0x0;
	s10 =	simm.s32 $0x1900  }
0x4: {  	s11 =	simm.s32 $0x3900;
	s12 =	simm.s32 $0x1;
	s13 =	simm.s32 $0x5900  }
0x5: {  	s14 =	simm.s32 $0x2;
	s15 =	simm.s32 $0x5980;
	s16 =	simm.s32 $0x3  }
0x6: {  	s17 =	simm.s32 $0x4;
	s5 =	sand.u32 $0x1, s3;
	s30 =	sshll.u32 s1, $0x1  }
0x7: {  	s18 =	simm.s32 $0x0;
	s9 =	smul.u32 $0x3200, s1;
	s3 =	sor.u32 s5, s30  }
0x8: {  	[smem:$0x7FF] =	sst s2;
	s7 =	ssub.s32 $0x2, s5;
	s6 =	smul.u32 $0x320, s3  }
0x9: {  	_ =	strace $0x8000004A;
	s31 =	smul.u32 $0x1900, s5;
	s8 =	sshrl.u32 s7, $0x1  }
0xa: {  	s3 =	sadd.s32 $0x9600, s4;
	s7 =	ssub.s32 s7, s8;
	s6 =	sadd.s32 s6, s4  }
0xb: {  	v0 =	vlaneseq.u32;
	s8 =	simm.s32 $0x5;
	s4 =	sadd.s32 $0xD0000, s4;
	s5 =	sadd.s32 $0x3200, s6  }
0xc: {  	v0 =	vmul.u32 $0x2, v0;
	s6 =	smax.u32 s7, $0x1;
	s7 =	sadd.s32 s31, s9;
	s9 =	simm.s32 $0x80  }
.LBB2_1:
0xd: {  	s19 =	sadd.s32 $0x0, s7  }
0xe: {  	v1 =	vmov s19;
	s20 =	sadd.s32 $0x20, s19  }
0xf: {  	s21 =	sadd.s32 $0x10, s19;
	s29 =	sadd.s32 $0x50, s19;
	v2 =	vshll.u32 v1, $0x1;
	v3 =	vmov s20  }
0x10: {  	s30 =	sadd.s32 $0x70, s19;
	s22 =	sadd.s32 $0xA0, s19;
	v4 =	vand.u32 $0x7FFFE000, v1;
	v5 =	vmov s21;
	v7 =	vmov s29  }
0x11: {  	s31 =	sadd.s32 $0xB0, s19;
	s23 =	sadd.s32 $0xF0, s19;
	s25 =	sadd.s32 $0x30, s19;
	v1 =	vshrl.u32 v1, $0xC;
	v9 =	vmov s30;
	v11 =	vmov s22  }
0x12: {  	s24 =	sadd.s32 $0x90, s19;
	s26 =	sadd.s32 $0x60, s19;
	s28 =	sadd.s32 $0x40, s19;
	v12 =	vmov s31;
	v17 =	vmov s23;
	v19 =	vmov s25  }
0x13: {  	v20 =	vmov s24;
	v23 =	vmov s26;
	v25 =	vmov s28  }
0x14: {  	s22 =	sadd.s32 $0xD0, s19;
	v6 =	vand.u32 $0x7FFFE000, v3;
	v8 =	vshrl.u32 v5, $0xC;
	v10 =	vshrl.u32 v7, $0xC  }
0x15: {  	v2 =	vor.u32 v0, v2;
	v13 =	vand.u32 $0x7FFFE000, v11;
	v14 =	vmov s22  }
0x16: {  	v15 =	vshll.u32 v9, $0x1;
	v16 =	vshrl.u32 v9, $0xC;
	v9 =	vand.u32 $0x7FFFE000, v9  }
0x17: {  	v1 =	vand.u32 $0x1, v1;
	v21 =	vshll.u32 v19, $0x1;
	v22 =	vshrl.u32 v20, $0xC  }
0x18: {  	v24 =	vshll.u32 v11, $0x1;
	v11 =	vshrl.u32 v11, $0xC;
	v26 =	vshll.u32 v20, $0x1  }
0x19: {  	v27 =	vshll.u32 v23, $0x1;
	v20 =	vand.u32 $0x7FFFE000, v20;
	v28 =	vshll.u32 v12, $0x1  }
0x1a: {  	s29 =	sadd.s32 $0xC0, s19;
	v29 =	vand.u32 $0x7FFFE000, v5;
	v30 =	vand.u32 $0x7FFFE000, v25;
	v31 =	vshll.u32 v17, $0x1  }
0x1b: {  	s30 =	sadd.s32 $0xE0, s19;
	v32 =	vshrl.u32 v25, $0xC;
	v33 =	vmov s29;
	v25 =	vshll.u32 v25, $0x1  }
0x1c: {  	v45 =	vmov s30;
	v48 =	vshrl.u32 v17, $0xC;
	v17 =	vand.u32 $0x7FFFE000, v17  }
0x1d: {  	v5 =	vshll.u32 v5, $0x1;
	v54 =	vand.u32 $0x7FFFE000, v7;
	v58 =	vand.u32 $0x7FFFE000, v19  }
0x1e: {  	v59 =	vshrl.u32 v12, $0xC;
	v12 =	vand.u32 $0x7FFFE000, v12;
	v7 =	vshll.u32 v7, $0x1  }
0x1f: {  	v63 =	vshrl.u32 v23, $0xC;
	v2 =	vand.u32 $0x1E1E, v2;
	v15 =	vor.u32 v0, v15  }
0x20: {  	v16 =	vand.u32 $0x1, v16;
	v18 =	vshll.u32 v14, $0x1;
	v22 =	vand.u32 $0x1, v22  }
0x21: {  	v11 =	vand.u32 $0x1, v11;
	v1 =	vor.u32 v4, v1;
	v4 =	vshll.u32 v3, $0x1  }
0x22: {  	v26 =	vor.u32 v0, v26;
	v24 =	vor.u32 v0, v24;
	v3 =	vshrl.u32 v3, $0xC  }
0x23: {  	v34 =	vshrl.u32 v14, $0xC;
	v8 =	vand.u32 $0x1, v8;
	v27 =	vor.u32 v0, v27  }
0x24: {  	v35 =	vand.u32 $0x7FFFE000, v33;
	v14 =	vand.u32 $0x7FFFE000, v14;
	v25 =	vor.u32 v0, v25  }
0x25: {  	v10 =	vand.u32 $0x1, v10;
	v46 =	vor.u32 v0, v31;
	v47 =	vshrl.u32 v33, $0xC  }
0x26: {  	v32 =	vand.u32 $0x1, v32;
	v50 =	vand.u32 $0x7FFFE000, v45;
	v51 =	vshll.u32 v33, $0x1  }
0x27: {  	v52 =	vshrl.u32 v45, $0xC;
	v56 =	vand.u32 $0x1, v48;
	v60 =	vor.u32 v0, v28  }
0x28: {  	v7 =	vor.u32 v0, v7;
	v15 =	vand.u32 $0x1EFE, v15;
	v26 =	vand.u32 $0x1FFE, v26  }
0x29: {  	v24 =	vand.u32 $0x1FFE, v24;
	v4 =	vor.u32 v0, v4;
	v18 =	vor.u32 v0, v18  }
0x2a: {  	v20 =	vor.u32 v20, v22;
	v34 =	vand.u32 $0x1, v34;
	v8 =	vor.u32 v29, v8  }
0x2b: {  	[tilespmem:s2], [sflag:$0x5] =	stream.linear.gather [hbm4b:s5+s2], $0x1900, $0x38;
	v3 =	vand.u32 $0x1, v3;
	v11 =	vor.u32 v13, v11;
	v9 =	vor.u32 v9, v16;
	[tilespmem:$0x5A00] =	vst v63  }
0x2c: {  	_ =	swait.ge [sflag:s8], $0x1900;
	v49 =	vor.u32 v30, v32;
	v29 =	vand.u32 $0x1FFE, v46;
	v13 =	vand.u32 $0x1, v47  }
0x2d: {  	[sflag:s8] =	ssyncset.done $0x0;
	v53 =	vor.u32 v0, v51;
	v25 =	vand.u32 $0x1E9E, v25;
	v57 =	vand.u32 $0x1, v52  }
0x2e: {  	[sflag:s8] =	ssyncadd.s32 $0xFFFFE700;
	v10 =	vor.u32 v54, v10;
	v61 =	vand.u32 $0x1FFE, v60;
	v1 =	vor.u32 v2, v1  }
0x2f: {  	[tilespmem:s10], [sflag:$0x1] =	stream.indirect.gather [hbm4b:s3+s9], $0x40, s2, s9, $0xb8;
	v2 =	vor.u32 v0, v5;
	v4 =	vand.u32 $0x1E5E, v4;
	v18 =	vand.u32 $0x1FFE, v18;
	[tilespmem:$0x5A00] =	vst v63  }
0x30: {  	s31 =	simm.s32 $0x80;
	v14 =	vor.u32 v14, v34;
	v3 =	vor.u32 v6, v3;
	v6 =	vshll.u32 v45, $0x1  }
0x31: {  	v13 =	vor.u32 v35, v13;
	v9 =	vor.u32 v15, v9;
	v55 =	vand.u32 $0x1FFE, v53;
	[tilespmem:s11], [sflag:$0x2] =	stream.indirect.gather [hbm4b:s3+s9], $0x40, s31, s9, $0xb8;
	[tilespmem:$0x5A00] =	vst v63  }
0x32: {  	v15 =	vor.u32 v50, v57;
	v5 =	vor.u32 v24, v11;
	v62 =	vor.u32 v25, v49;
	[tilespmem:$0x5970] =	vst v9  }
0x33: {  	v6 =	vor.u32 v0, v6;
	v14 =	vor.u32 v18, v14;
	v13 =	vor.u32 v55, v13;
	[tilespmem:$0x5900] =	vst v1  }
0x34: {  	v3 =	vor.u32 v4, v3;
	v4 =	vshrl.u32 v19, $0xC;
	v19 =	vand.u32 $0x1, v59;
	[tilespmem:$0x59A0] =	vst v5  }
0x35: {  	v1 =	vand.u32 $0x1E3E, v2;
	v2 =	vor.u32 v0, v21;
	v5 =	vor.u32 v17, v56;
	[tilespmem:$0x5940] =	vst v62  }
0x36: {  	v4 =	vand.u32 $0x1, v4;
	[tilespmem:$0x59D0] =	vst v14;
	v12 =	vor.u32 v12, v19;
	v6 =	vand.u32 $0x1FFE, v6  }
0x37: {  	[tilespmem:$0x5920] =	vst v3;
	v2 =	vand.u32 $0x1E7E, v2;
	v8 =	vor.u32 v1, v8;
	v3 =	vor.u32 v58, v4  }
0x38: {  	[tilespmem:$0x59C0] =	vst v13;
	v4 =	vand.u32 $0x1EBE, v7;
	v7 =	vor.u32 v61, v12;
	v6 =	vor.u32 v6, v15  }
0x39: {  	v4 =	vor.u32 v4, v10;
	v1 =	vor.u32 v2, v3;
	v2 =	vand.u32 $0x7FFFE000, v23;
	[tilespmem:$0x59B0] =	vst v7  }
0x3a: {  	s19 =	sadd.s32 $0x80, s19;
	v3 =	vand.u32 $0x1, v63;
	v7 =	vor.u32 v26, v20;
	[tilespmem:$0x5950] =	vst v4;
	v4 =	vand.u32 $0x1EDE, v27  }
0x3b: {  	[tilespmem:$0x5910] =	vst v8;
	v2 =	vor.u32 v2, v3;
	v3 =	vor.u32 v29, v5;
	v5 =	vmov s19  }
0x3c: {  	[tilespmem:$0x5990] =	vst v7;
	v2 =	vor.u32 v4, v2;
	v7 =	vshll.u32 v5, $0x1;
	v8 =	vshrl.u32 v5, $0xC  }
0x3d: {  	s20 =	simm.s32 $0x0;
	[tilespmem:$0x59E0] =	vst v6;
	s19 =	simm.s32 $0x100;
	v4 =	vand.u32 $0x7FFFE000, v5;
	v5 =	vor.u32 v0, v7;
	v6 =	vand.u32 $0x1, v8  }
.LBB2_2:
0x3e: {  	p0 =	sne.s32 s19, $0x1800  }
0x3f: {  	v5 =	vand.u32 $0x1F1E, v5;
	v4 =	vor.u32 v4, v6;
	[tilespmem:$0x59F0] =	vst v3;
	s20 =	sadd.s32 $0x100, s20;
	s21 =	smov.u32 s19;
	s19 =	sadd.s32 $0x100, s19  }
0x40: {  	s22 =	sadd.s32 s21, s7;
	[tilespmem:$0x5960] =	vst v2;
	v2 =	vor.u32 v5, v4  }
0x41: {  	v3 =	vmov s22;
	s21 =	sadd.s32 $0x20, s22;
	s23 =	sadd.s32 $0x50, s22;
	s24 =	sadd.s32 $0x70, s22;
	[tilespmem:$0x5980] =	vst v2  }
0x42: {  	s25 =	sadd.s32 $0x10, s22;
	v2 =	vshll.u32 v3, $0x1;
	v7 =	vand.u32 $0x7FFFE000, v3;
	v8 =	vmov s21;
	s21 =	sadd.s32 $0xA0, s22;
	[tilespmem:$0x5930] =	vst v1  }
0x43: {  	v5 =	vmov s25;
	v1 =	vmov s23;
	s23 =	sadd.s32 $0xB0, s22;
	s25 =	sadd.s32 $0xD0, s22;
	v9 =	vand.u32 $0x7FFFE000, v8;
	_ =	swait.ge [sflag:s12], $0x2000  }
0x44: {  	v4 =	vshrl.u32 v3, $0xC;
	v6 =	vmov s24;
	v10 =	vshrl.u32 v5, $0xC;
	[sflag:s12] =	ssyncset.done $0x0  }
0x45: {  	v11 =	vshrl.u32 v1, $0xC;
	v12 =	vmov s21;
	v3 =	vmov s23;
	s23 =	sadd.s32 $0xF0, s22;
	[sflag:s12] =	ssyncadd.s32 $0xFFFFE000  }
0x46: {  	v2 =	vor.u32 v0, v2;
	v14 =	vmov s25;
	v13 =	vand.u32 $0x7FFFE000, v12;
	[hbm4b:s4+s9] =	stream.indirect.scatter [tilespmem:s10], [sflag:$0x3], $0x40, s13, s9, $0xb8;
	[tilespmem:$0x5A00] =	vst v63  }
0x47: {  	s24 =	sadd.s32 $0x40, s22;
	v15 =	vshll.u32 v6, $0x1;
	v16 =	vshrl.u32 v6, $0xC;
	s25 =	sadd.s32 $0x90, s22;
	v2 =	vand.u32 $0x1E1E, v2;
	_ =	swait.ge [sflag:s14], $0x2000  }
0x48: {  	s26 =	sadd.s32 $0x30, s22;
	v17 =	vand.u32 $0x7FFFE000, v6;
	s21 =	sadd.s32 $0x80, s22;
	v6 =	vor.u32 v0, v15;
	v15 =	vmov s23;
	[sflag:s14] =	ssyncset.done $0x0  }
0x49: {  	v18 =	vand.u32 $0x1, v4;
	s23 =	sadd.s32 $0x60, s22;
	v16 =	vand.u32 $0x1, v16;
	v19 =	vshll.u32 v14, $0x1;
	[sflag:s14] =	ssyncadd.s32 $0xFFFFE000  }
0x4a: {  	v20 =	vmov s26;
	v22 =	vmov s25;
	v21 =	vand.u32 $0x1EFE, v6;
	[hbm4b:s4+s9] =	stream.indirect.scatter [tilespmem:s11], [sflag:$0x4], $0x40, s15, s9, $0xb8;
	[tilespmem:$0x5A00] =	vst v63  }
0x4b: {  	v6 =	vshll.u32 v20, $0x1;
	v4 =	vmov s23;
	v23 =	vshrl.u32 v22, $0xC;
	_ =	swait.ge [sflag:s16], $0x2000  }
0x4c: {  	v24 =	vshll.u32 v12, $0x1;
	v12 =	vshrl.u32 v12, $0xC;
	v23 =	vand.u32 $0x1, v23;
	[sflag:s16] =	ssyncset.done $0x0  }
0x4d: {  	v25 =	vmov s24;
	v26 =	vshll.u32 v22, $0x1;
	v12 =	vand.u32 $0x1, v12;
	[sflag:s16] =	ssyncadd.s32 $0xFFFFE000  }
0x4e: {  	v28 =	vshll.u32 v3, $0x1;
	v22 =	vand.u32 $0x7FFFE000, v22;
	v27 =	vshll.u32 v4, $0x1;
	_ =	swait.ge [sflag:s17], $0x2000  }
0x4f: {  	v29 =	vshll.u32 v8, $0x1;
	v18 =	vor.u32 v7, v18;
	v7 =	vor.u32 v0, v26;
	[sflag:s17] =	ssyncset.done $0x0  }
0x50: {  	v24 =	vor.u32 v0, v24;
	v26 =	vand.u32 $0x7FFFE000, v5;
	v7 =	vand.u32 $0x1FFE, v7;
	[sflag:s17] =	ssyncadd.s32 $0xFFFFE000  }
0x51: {  	v30 =	vand.u32 $0x7FFFE000, v25;
	s23 =	sadd.s32 $0xC0, s22;
	v31 =	vshll.u32 v15, $0x1;
	v24 =	vand.u32 $0x1FFE, v24  }
0x52: {  	v8 =	vshrl.u32 v8, $0xC;
	v32 =	vshrl.u32 v25, $0xC;
	v33 =	vmov s23  }
0x53: {  	v29 =	vor.u32 v0, v29;
	v25 =	vshll.u32 v25, $0x1;
	v34 =	vshrl.u32 v14, $0xC  }
0x54: {  	v10 =	vand.u32 $0x1, v10;
	v29 =	vand.u32 $0x1E5E, v29;
	v19 =	vor.u32 v0, v19;
	s22 =	sadd.s32 $0xE0, s22  }
0x55: {  	v19 =	vand.u32 $0x1FFE, v19;
	v22 =	vor.u32 v22, v23;
	v23 =	vmov s22  }
0x56: {  	v14 =	vand.u32 $0x7FFFE000, v14;
	v27 =	vor.u32 v0, v27;
	v35 =	vand.u32 $0x7FFFE000, v33  }
0x57: {  	v11 =	vand.u32 $0x1, v11;
	v25 =	vor.u32 v0, v25;
	v34 =	vand.u32 $0x1, v34  }
0x58: {  	v8 =	vand.u32 $0x1, v8;
	v10 =	vor.u32 v26, v10;
	v26 =	vor.u32 v0, v31  }
0x59: {  	v12 =	vor.u32 v13, v12;
	v13 =	vshrl.u32 v33, $0xC;
	v31 =	vshrl.u32 v15, $0xC  }
0x5a: {  	v32 =	vand.u32 $0x1, v32;
	v16 =	vor.u32 v17, v16;
	v14 =	vor.u32 v14, v34  }
0x5b: {  	v8 =	vor.u32 v9, v8;
	v9 =	vor.u32 v30, v32;
	v17 =	vshll.u32 v23, $0x1  }
0x5c: {  	v30 =	vand.u32 $0x7FFFE000, v23;
	v26 =	vand.u32 $0x1FFE, v26;
	v17 =	vor.u32 v0, v17;
	[tilespmem:s10], [sflag:$0x1] =	stream.indirect.gather [hbm4b:s3+s9], $0x40, s20, s9, $0xb8;
	[tilespmem:$0x5A00] =	vst v63  }
0x5d: {  	s22 =	sadd.s32 $0x80, s20;
	v32 =	vshll.u32 v33, $0x1;
	v15 =	vand.u32 $0x7FFFE000, v15;
	v13 =	vand.u32 $0x1, v13  }
0x5e: {  	v14 =	vor.u32 v19, v14;
	v19 =	vshrl.u32 v23, $0xC;
	v13 =	vor.u32 v35, v13;
	[tilespmem:s11], [sflag:$0x2] =	stream.indirect.gather [hbm4b:s3+s9], $0x40, s22, s9, $0xb8;
	[tilespmem:$0x5A00] =	vst v63  }
0x5f: {  	v5 =	vshll.u32 v5, $0x1;
	v23 =	vand.u32 $0x7FFFE000, v1;
	v32 =	vor.u32 v0, v32  }
0x60: {  	v16 =	vor.u32 v21, v16;
	v31 =	vand.u32 $0x1, v31;
	v21 =	vand.u32 $0x1FFE, v32  }
0x61: {  	v25 =	vand.u32 $0x1E9E, v25;
	v13 =	vor.u32 v21, v13;
	[tilespmem:$0x59D0] =	vst v14;
	v14 =	vand.u32 $0x1, v19  }
0x62: {  	v8 =	vor.u32 v29, v8;
	v19 =	vshrl.u32 v20, $0xC;
	[tilespmem:$0x59C0] =	vst v13;
	v13 =	vor.u32 v30, v14  }
0x63: {  	v11 =	vor.u32 v23, v11;
	v14 =	vand.u32 $0x7FFFE000, v20;
	v19 =	vand.u32 $0x1, v19  }
0x64: {  	[tilespmem:$0x5920] =	vst v8;
	v8 =	vor.u32 v14, v19;
	v14 =	vshrl.u32 v3, $0xC;
	v3 =	vand.u32 $0x7FFFE000, v3  }
0x65: {  	v1 =	vshll.u32 v1, $0x1;
	v19 =	vor.u32 v0, v28;
	v14 =	vand.u32 $0x1, v14  }
0x66: {  	v1 =	vor.u32 v0, v1;
	[tilespmem:$0x5970] =	vst v16;
	v16 =	vand.u32 $0x1FFE, v19;
	v3 =	vor.u32 v3, v14  }
0x67: {  	v1 =	vand.u32 $0x1EBE, v1;
	v14 =	vand.u32 $0x1FFE, v17;
	v3 =	vor.u32 v16, v3  }
0x68: {  	v2 =	vor.u32 v2, v18;
	v5 =	vor.u32 v0, v5;
	v1 =	vor.u32 v1, v11  }
0x69: {  	[tilespmem:$0x5900] =	vst v2;
	v2 =	vand.u32 $0x1E3E, v5;
	v5 =	vor.u32 v0, v6;
	v6 =	vor.u32 v24, v12  }
0x6a: {  	v9 =	vor.u32 v25, v9;
	v11 =	vand.u32 $0x1EDE, v27;
	v5 =	vand.u32 $0x1E7E, v5;
	[tilespmem:$0x5950] =	vst v1  }
0x6b: {  	v2 =	vor.u32 v2, v10;
	v1 =	vor.u32 v5, v8;
	v5 =	vshrl.u32 v4, $0xC;
	[tilespmem:$0x59A0] =	vst v6  }
.Ltmp0:
0x6c: {  	v4 =	vand.u32 $0x7FFFE000, v4;
	v5 =	vand.u32 $0x1, v5;
	[tilespmem:$0x59B0] =	vst v3;
	v3 =	vor.u32 v15, v31;
	(pc) =	sbr.rel @p0 .LBB2_2-.Ltmp0, $4  }
0x6d: {  	[tilespmem:$0x5910] =	vst v2;
	v2 =	vor.u32 v4, v5;
	v4 =	vor.u32 v7, v22;
	v3 =	vor.u32 v26, v3  }
0x6e: {  	v6 =	vor.u32 v14, v13;
	v5 =	vmov s21;
	v2 =	vor.u32 v11, v2;
	[tilespmem:$0x5990] =	vst v4  }
0x6f: {  	v7 =	vshll.u32 v5, $0x1;
	v8 =	vshrl.u32 v5, $0xC;
	v4 =	vand.u32 $0x7FFFE000, v5;
	[tilespmem:$0x59E0] =	vst v6  }
0x70: {  	v5 =	vor.u32 v0, v7;
	v6 =	vand.u32 $0x1, v8;
	[tilespmem:$0x5940] =	vst v9  }
0x71: {  	[tilespmem:$0x59F0] =	vst v3  }
0x72: {  	v5 =	vand.u32 $0x1F1E, v5;
	v4 =	vor.u32 v4, v6;
	[tilespmem:$0x5960] =	vst v2  }
0x73: {  	[tilespmem:$0x5930] =	vst v1;
	v2 =	vor.u32 v5, v4  }
0x74: {  	[tilespmem:$0x5980] =	vst v2  }
0x75: {  	_ =	swait.ge [sflag:s12], $0x2000  }
0x76: {  	[sflag:s12] =	ssyncset.done $0x0  }
0x77: {  	[sflag:s12] =	ssyncadd.s32 $0xFFFFE000  }
0x78: {  	[hbm4b:s4+s9] =	stream.indirect.scatter [tilespmem:s10], [sflag:$0x3], $0x40, s13, s9, $0xb8;
	[tilespmem:$0x5A00] =	vst v63  }
0x79: {  	_ =	swait.ge [sflag:s14], $0x2000  }
0x7a: {  	[sflag:s14] =	ssyncset.done $0x0  }
0x7b: {  	s18 =	sadd.s32 $0x1, s18;
	[sflag:s14] =	ssyncadd.s32 $0xFFFFE000  }
0x7c: {  	[hbm4b:s4+s9] =	stream.indirect.scatter [tilespmem:s11], [sflag:$0x4], $0x40, s15, s9, $0xb8;
	[tilespmem:$0x5A00] =	vst v63  }
0x7d: {  	p0 =	sne.s32 s18, s6;
	_ =	swait.ge [sflag:s16], $0x2000  }
.Ltmp1:
0x7e: {  	[sflag:s16] =	ssyncset.done $0x0;
	(pc) =	sbr.rel @p0 .LBB2_1-.Ltmp1, $4  }
0x7f: {  	[sflag:s16] =	ssyncadd.s32 $0xFFFFE000  }
0x80: {  	_ =	swait.ge [sflag:s17], $0x2000  }
0x81: {  	[sflag:s17] =	ssyncset.done $0x0  }
0x82: {  	[sflag:s17] =	ssyncadd.s32 $0xFFFFE000  }
0x83: {  	_ =	sfence.sel $0x180000  }
0x84: {  	[bflag:$0x0] =	sbarrier.arrive $0xFFFF  }
0x85: {  	p0 =	sne.s32 s1, $0x0;
	_ =	strace $0x9000004A  }
0x86: {  	s0 =	sadd.s32 @!p0 $0x100000, s0;
	[bflag:$0x2] =	sbarrier.arrive $0xFFFF  }
0x87: {  	[sflag:s0] =	ssyncadd.tile.s32 @!p0 $0x1;
	_ =	shalt  }
.Lfunc_end2:
_tile_overlayer_lowered:
.L_overlay_start_2:
0x88: {  	(tag) =	ssettag $0x2  }
0x89: {  	s0 =	rddreg [dreg:$0x0];
	s2 =	stileid.u32  }
0x8a: {  	s1 =	rddreg [dreg:$0x1];
	p0 =	sne.s32 s2, $0x0  }
0x8b: {  	s3 =	rddreg [dreg:$0x2];
	[bflag:$0x3] =	sbarrier.arrive $0xFFFF;
	s2 =	simm.s32 @!p0 $0x1C05  }
0x8c: {  	[timem:s3], [sflag:s2] =	dma.local @!p0 [hbm:s0], s1  }
0x8d: {  	s0 =	simm.s32 @!p0 $0x5  }
0x8e: {  	_ =	swait.ge @!p0 [sflag:s0], s1  }
0x8f: {  	s1 =	ssub.s32 @!p0 $0x0, s1;
	[sflag:s0] =	ssyncset.done @!p0 $0x0  }
0x90: {  	[sflag:s0] =	ssyncadd.s32 @!p0 s1  }
0x91: {  	[bflag:$0x3] =	sbarrier.arrive $0xFFFF  }
0x92: {  	_ =	shalt  }

// kernel: scatter_offload_async_start
scs
__scs_entry_jumppad:
0x0: {  	(pc) =	sbr.rel $0x88, $3  }
0x1: {  	(tag) =	ssettag $0x0;
	lr =	simm.s32 $0x1  }
0x2: {  	[smem:$0x3F9B] =	sst lr;
	_ =	strace $0xD0000000  }
0x3: {  	_ = 	snop  }
0x4: {  	_ = 	snop  }
0x5: {  	_ = 	snop  }
0x6: {  	_ = 	snop  }
0x7: {  	_ = 	snop  }
__scs_overlays_trampoline_lowered:
0x8: {  	[smem:$0x3FAA] =	sst s0  }
0x9: {  	[smem:$0x3FAB] =	sst s1  }
0xa: {  	[smem:$0x3FAC] =	sst s2  }
0xb: {  	[smem:$0x3FAD] =	sst s3  }
0xc: {  	[smem:$0x3FAE] =	sst s4  }
0xd: {  	[smem:$0x3FAF] =	sst s5  }
0xe: {  	[smem:$0x3FB0] =	sst s6  }
0xf: {  	[smem:$0x3FB1] =	sst s7  }
0x10: {  	[smem:$0x3FB2] =	sst s8  }
0x11: {  	[smem:$0x3FB3] =	sst s9;
	s0 =	simm.s32 @!p0 $0x0  }
0x12: {  	s1 =	sld [smem:$0x3F99];
	s0 =	simm.s32 @p0 $0x1  }
0x13: {  	[smem:$0x3FB4] =	sst s0;
	s0 =	simm.s32 @!p1 $0x0  }
0x14: {  	s2 =	sld [smem:$0x3F98];
	s0 =	simm.s32 @p1 $0x1  }
0x15: {  	[smem:$0x3FB5] =	sst s0;
	s0 =	simm.s32 @!p2 $0x0  }
0x16: {  	s3 =	sld [smem:$0x3FDB];
	s0 =	simm.s32 @p2 $0x1  }
0x17: {  	s4 =	simm.s32 $0x1BF5;
	[smem:$0x3FB7] =	sst s0  }
0x18: {  	s0 =	sld [smem:$0x3F9A];
	_ =	swait.ge [sflag:s4], $0x0  }
0x19: {  	s7 =	sld [smem:$0x3F9B]  }
0x1a: {  	s8 =	sadd.s32 $0xFFFFE003, lr  }
0x1b: {  	s9 =	sadd.s32 $0xFFFFFEF7, lr;
	s5 =	simm.s32 $0xFFFFFFFF;
	p2 =	slt.u32 s8, $0xFFFFF086  }
0x1c: {  	p1 =	slt.u32 s9, $0xF7A;
	s5 =	simm.s32 @!p2 $0x0  }
0x1d: {  	s5 =	simm.s32 @p1 $0x1;
	p0 =	seq.s32 s7, s2  }
0x1e: {  	s7 =	smul.u32 @!p0 $0xF7A, s2;
	p2 =	seq.s32 @!p0 s5, $0x0  }
0x1f: {  	s9 =	smul.u32 $0xF7A, s1;
	s8 =	simm.s32 @!p0 $0x1BF5;
	p2 =	por !p2, p0  }
0x20: {  	[sflag:s8] =	ssyncset.s32 @!p0 $0xFFFFF086;
	s6 =	sadd.s32 @!p0 s3, s7;
	s7 =	simm.s32 @!p0 $0x108  }
0x21: {  	s3 =	sadd.s32 s3, s9;
	s6 =	sadd.s32 @!p0 $0x88, s6;
	s7 =	simm.s32 @p2 $0x1082  }
0x22: {  	[simem:s7], [sflag:s8] =	dma.local @!p0 [hbm:s6], $0xF7A  }
0x23: {  	s9 =	sor.u32 $0xD0000000, s2;
	s6 =	simm.s32 $0x108;
	_ =	swait.ge @!p0 [sflag:s8], $0x0  }
0x24: {  	s3 =	sadd.s32 $0x88, s3;
	s6 =	simm.s32 @!p1 $0x1082;
	[sflag:s4] =	ssyncset.s32 $0xFFFFF086  }
0x25: {  	[simem:s6], [sflag:s4] =	dma.local [hbm:s3], $0xF7A  }
0x26: {  	[smem:$0x3F9B] =	sst s1;
	(tag) =	ssettag s2;
	_ =	strace s9  }
0x27: {  	s1 =	sld [smem:$0x3FAB]  }
0x28: {  	s2 =	sld [smem:$0x3FAC]  }
0x29: {  	s4 =	sld [smem:$0x3FAE]  }
0x2a: {  	p0 =	seq.s32 s5, $0x0;
	s5 =	sld [smem:$0x3FAF]  }
0x2b: {  	s6 =	sld [smem:$0x3FB0]  }
0x2c: {  	s7 =	sld [smem:$0x3FB1]  }
0x2d: {  	s3 =	simm.s32 $0x108;
	s8 =	sld [smem:$0x3FB2]  }
0x2e: {  	s3 =	simm.s32 @!p0 $0x1082;
	s9 =	sld [smem:$0x3FB3]  }
0x2f: {  	lr =	sadd.s32 s0, s3;
	s0 =	sld [smem:$0x3FAA]  }
0x30: {  	s3 =	sld [smem:$0x3FAD]  }
0x31: {  	[smem:$0x3FB6] =	sst s10  }
0x32: {  	s10 =	sld [smem:$0x3FB4];
	_ =	sdelay $0x3  }
0x33: {  	p0 =	seq.s32 s10, $0x1;
	s10 =	sld [smem:$0x3FB6];
	_ =	sdelay $0x3  }
0x34: {  	[smem:$0x3FB6] =	sst s10  }
0x35: {  	s10 =	sld [smem:$0x3FB5];
	_ =	sdelay $0x3  }
0x36: {  	p1 =	seq.s32 s10, $0x1;
	s10 =	sld [smem:$0x3FB6];
	_ =	sdelay $0x3  }
0x37: {  	[smem:$0x3FB6] =	sst s10  }
0x38: {  	s10 =	sld [smem:$0x3FB7]  }
0x39: {  	_ = 	snop;
	(pc) =	sbr.ind lr, $3  }
0x3a: {  	_ = 	snop  }
0x3b: {  	_ = 	snop  }
0x3c: {  	p2 =	seq.s32 s10, $0x1;
	s10 =	sld [smem:$0x3FB6]  }
0x3d: {  	_ =	shalt  }
0x3e: {  	_ =	shalt  }
0x3f: {  	_ =	shalt  }
0x40: {  	_ =	shalt  }
0x41: {  	_ =	shalt  }
0x42: {  	_ =	shalt  }
0x43: {  	_ =	shalt  }
0x44: {  	_ =	shalt  }
0x45: {  	_ =	shalt  }
0x46: {  	_ =	shalt  }
0x47: {  	_ =	shalt  }
0x48: {  	_ =	shalt  }
0x49: {  	_ =	shalt  }
0x4a: {  	_ =	shalt  }
0x4b: {  	_ =	shalt  }
0x4c: {  	_ =	shalt  }
0x4d: {  	_ =	shalt  }
0x4e: {  	_ =	shalt  }
0x4f: {  	_ =	shalt  }
0x50: {  	_ =	shalt  }
0x51: {  	_ =	shalt  }
0x52: {  	_ =	shalt  }
0x53: {  	_ =	shalt  }
0x54: {  	_ =	shalt  }
0x55: {  	_ =	shalt  }
0x56: {  	_ =	shalt  }
0x57: {  	_ =	shalt  }
0x58: {  	_ =	shalt  }
0x59: {  	_ =	shalt  }
0x5a: {  	_ =	shalt  }
0x5b: {  	_ =	shalt  }
0x5c: {  	_ =	shalt  }
0x5d: {  	_ =	shalt  }
0x5e: {  	_ =	shalt  }
0x5f: {  	_ =	shalt  }
0x60: {  	_ =	shalt  }
0x61: {  	_ =	shalt  }
0x62: {  	_ =	shalt  }
0x63: {  	_ =	shalt  }
0x64: {  	_ =	shalt  }
0x65: {  	_ =	shalt  }
0x66: {  	_ =	shalt  }
0x67: {  	_ =	shalt  }
0x68: {  	_ =	shalt  }
0x69: {  	_ =	shalt  }
0x6a: {  	_ =	shalt  }
0x6b: {  	_ =	shalt  }
0x6c: {  	_ =	shalt  }
0x6d: {  	_ =	shalt  }
0x6e: {  	_ =	shalt  }
0x6f: {  	_ =	shalt  }
0x70: {  	_ =	shalt  }
0x71: {  	_ =	shalt  }
0x72: {  	_ =	shalt  }
0x73: {  	_ =	shalt  }
0x74: {  	_ =	shalt  }
0x75: {  	_ =	shalt  }
0x76: {  	_ =	shalt  }
0x77: {  	_ =	shalt  }
0x78: {  	_ =	shalt  }
0x79: {  	_ =	shalt  }
0x7a: {  	_ =	shalt  }
0x7b: {  	_ =	shalt  }
0x7c: {  	_ =	shalt  }
0x7d: {  	_ =	shalt  }
0x7e: {  	_ =	shalt  }
0x7f: {  	_ =	shalt  }
0x80: {  	_ =	shalt  }
0x81: {  	_ =	shalt  }
0x82: {  	_ =	shalt  }
0x83: {  	_ =	shalt  }
0x84: {  	_ =	shalt  }
0x85: {  	_ =	shalt  }
0x86: {  	_ =	shalt  }
0x87: {  	_ =	shalt  }
.Lfunc_end0:
.L_simem_size_0:
called_computation_lowered:
.L_overlay_start_0:
0x88: {  	s0 =	sld [smem:$0x3FD9]  }
0x89: {  	s1 =	sld [smem:$0x3FFE];
	_ =	sdelay $0x3  }
0x8a: {  	s0 =	sadd.s32 s1, s0  }
0x8b: {  	[smem:$0x3FC2] =	sst s0  }
0x8c: {  	_ = 	snop  }
0x8d: {  	(tm) =	ssettm $0x1  }
0x8e: {  	s15 =	sld [smem:$0x3FFB];
	_ =	sdelay $0x3  }
0x8f: {  	_ =	strace s15  }
0x90: {  	s0 =	sld [smem:$0x3FFC];
	_ =	sdelay $0x3  }
0x91: {  	_ =	strace s0  }
0x92: {  	s0 =	sld [smem:$0x3FFD];
	_ =	sdelay $0x3  }
0x93: {  	_ =	strace s0  }
0x94: {  	_ =	strace $0x8FFFFFFF  }
0x95: {  	s16 =	sld [smem:$0x3FDB];
	_ =	sdelay $0x1  }
0x96: {  	s17 =	simm.s32 $_scs_section_size  }
0x97: {  	s2 =	simm.s32 $_size__tile_overlayer_lowered;
	s3 =	simm.s32 $_tile_overlayer_lowered  }
0x98: {  	s20 =	simm.s32 $0x1BFF;
	s19 =	sshll.u32 s3, $0x1;
	s0 =	sadd.s32 s17, s16  }
0x99: {  	s4 =	simm.s32 $0x0;
	s18 =	sshll.u32 s2, $0x1;
	s2 =	sadd.s32 s19, s0  }
0x9a: {  	[timem:s4], [sflag:s20] =	dma.local [hbm:s2], s18  }
0x9b: {  	_ =	swait.ge [sflag:s20], s18  }
0x9c: {  	s1 =	ssub.s32 $0x0, s18;
	[sflag:s20] =	ssyncset.done $0x0  }
0x9d: {  	[sflag:s20] =	ssyncadd.s32 s1;
	_ =	sdelay $0x1  }
0x9e: {  	s21 =	simm.s32 $0x1B8B  }
0x9f: {  	_ =	swait.ge [sflag:s21], $0x1  }
0xa0: {  	[sflag:s21] =	ssyncset.done $0x0  }
0xa1: {  	s23 =	simm.s32 $0x1B8E;
	s22 =	sld [smem:$0x3FFE];
	[sflag:s21] =	ssyncadd.s32 $0xFFFFFFFF  }
0xa2: {  	s24 =	simm.s32 $execute0_lowered;
	[smem:$0x3FD2] =	sst s23  }
0xa3: {  	s2 =	sshll.u32 s24, $0x1;
	_ =	strace $0x80000046;
	[dreg:$0x1] =	wrdreg $0xFFFFFFFF  }
0xa4: {  	s25 =	simm.s32 $_size_execute0_lowered;
	s0 =	sadd.s32 s0, s2;
	[dreg:$0x0] =	wrdreg $0x0  }
0xa5: {  	s2 =	sshll.u32 s25, $0x1;
	[dreg:$0x2] =	wrdreg s0  }
0xa6: {  	[dreg:$0x3] =	wrdreg s2  }
0xa7: {  	[dreg:$0x4] =	wrdreg $0xC0  }
0xa8: {  	_ =	task [dreg:s4], $0x5FFFF  }
0xa9: {  	[dreg:$0x1] =	wrdreg $0xFFFFFFFF  }
0xaa: {  	[dreg:$0x0] =	wrdreg $0x60  }
0xab: {  	[dreg:$0x2] =	wrdreg s22  }
0xac: {  	[dreg:$0x3] =	wrdreg $0x9  }
0xad: {  	_ =	task.clear_ibuf [dreg:s4], $0x4FFFF;
	_ =	strace $0x90000046  }
0xae: {  	s26 =	simm.s32 $0x9;
	_ =	strace $0x80000048  }
0xaf: {  	_ =	swait.ge [sflag:s26], $0x1  }
0xb0: {  	[sflag:s26] =	ssyncadd.s32 $0xFFFFFFFF  }
0xb1: {  	_ =	strace $0x90000048  }
0xb2: {  	_ =	sfence  }
0xb3: {  	s28 =	sld [smem:$0x0];
	_ =	sdelay $0x1  }
0xb4: {  	s29 =	srdreg.scid  }
0xb5: {  	s30 =	sshll.u32 s29, $0xD;
	s31 =	sshrl.u32 s29, $0x2  }
0xb6: {  	s1 =	sand.u32 $0x1, s29;
	s2 =	sand.u32 $0x4000, s30;
	s0 =	sadd.s32 s31, s28  }
0xb7: {  	s1 =	sor.u32 s2, s1;
	s0 =	sshll.u32 s0, $0x11  }
0xb8: {  	s0 =	sor.u32 s0, s1  }
0xb9: {  	s0 =	sadd.s32 $0x8F2B, s0  }
0xba: {  	[sflag:s0] =	ssyncadd.remote.s32 $0x1  }
0xbb: {  	_ =	sfence.sel $0xFFFF  }
0xbc: {  	[dreg:$0x0] =	wrdreg $0xFFFFFFFF;
	(pc) =	sbr.abs _section_cstart, $3  }
0xbd: {  	[dreg:$0x1] =	wrdreg $0xFFFFFFFF  }
0xbe: {  	_ =	task.clear_ibuf [dreg:s4], $0x2FFFF;
	_ =	strace $0x9FFFFFFF  }
0xbf: {  	(tm) =	ssettm $0x7FFFFFFF  }
tec
execute0_lowered:
.L_overlay_start_1:
0x0: {  	(tag) =	ssettag $0x1  }
0x1: {  	s2 =	rddreg [dreg:$0x0]  }
0x2: {  	s0 =	rddreg [dreg:$0x1]  }
0x3: {  	_ =	strace $0x80000047;
	s4 =	stileid.u32;
	s5 =	simm.s32 $0x3E  }
0x4: {  	s1 =	sadd.s32 $0xCCC00, s2;
	p0 =	sne.s32 s4, $0x0;
	[sflag:s5] =	ssyncpa.u1 $0x0  }
0x5: {  	s30 =	smin.u32 s4, $0x9;
	s3 =	simm.s32 @!p0 $0x1C3E;
	s6 =	simm.s32 @!p0 $0x0  }
0x6: {  	[spmem:s6], [sflag:s3] =	dma.local @!p0 [hbm:s1], $0x10  }
0x7: {  	s3 =	sadd.s32 s4, s30  }
0x8: {  	p1 =	slt.u32 s4, $0x9;
	s4 =	simm.s32 $0x1F40;
	s3 =	smul.u32 $0xFA0, s3  }
0x9: {  	s4 =	simm.s32 @!p1 $0xFA0  }
0xa: {  	s4 =	sadd.s32 s4, s3  }
0xb: {  	s4 =	smin.u32 s4, $0x186A0  }
0xc: {  	s7 =	ssub.s32 s4, s3  }
0xd: {  	p1 =	sgt.s32 s7, $0x0  }
0xe: {  	s7 =	simm.s32 @!p1 $0x0  }
0xf: {  	s6 =	simm.s32 @!p0 $0x3E;
	s31 =	smulhi.u32 $0x10624DD3, s7  }
0x10: {  	_ =	swait.ge @!p0 [sflag:s6], $0x10  }
0x11: {  	[sflag:s6] =	ssyncset.done @!p0 $0x0;
	s8 =	sshrl.u32 s31, $0x8  }
0x12: {  	s11 =	simm.s32 $0x0;
	[sflag:s6] =	ssyncadd.s32 @!p0 $0xFFFFFFF0;
	s9 =	smul.u32 $0xFA0, s8  }
.Ltmp0:
0x13: {  	s6 =	simm.s32 $0x2;
	[bflag:$0x0] =	sbarrier.arrive $0xFFFF;
	(pc) =	sbr.rel .LBB2_1-.Ltmp0, $4  }
0x14: {  	s10 =	smov.u32 s3;
	[sflag:s5] =	ssyncpa.u1 $0x1;
	s5 =	simm.s32 $0x1  }
0x15: {  	[sflag:s5] =	ssyncpa.u1 $0x0;
	p1 =	sne.s32 s7, s9;
	s9 =	simm.s32 $0x1  }
0x16: {  	(ifvalue) =	ssetifvalue $0x80;
	[sflag:s6] =	ssyncpa.u1 $0x0;
	s9 =	simm.s32 @!p1 $0x0  }
0x17: {  	vm0 =	vmmov $0xffff;
	s7 =	sadd.s32 $0xCCE00, s2;
	s8 =	sadd.s32 s9, s8;
	s9 =	simm.s32 $0x0  }
.LBB2_5:
0x18: {  	p2 =	sne.s32 s11, s8  }
.Ltmp1:
0x19: {  	_ = 	snop;
	(pc) =	sbr.rel @!p2 .LBB2_6-.Ltmp1, $4  }
0x1a: {  	_ = 	snop  }
0x1b: {  	s12 =	sadd.s32 $0xFA0, s10  }
0x1c: {  	s10 =	smov.u32 s3;
	s13 =	sadd.s32 $0x1, s11;
	p1 =	slt.s32 s12, s4  }
0x1d: {  	s11 =	smov.u32 s13;
	s10 =	smov.u32 @p1 s12  }
.LBB2_1:
0x1e: {  	p1 =	sge.u32 s11, s8  }
0x1f: {  	s12 =	sxor.u32 @!p1 $0xFFFFFFFF, s11  }
0x20: {  	s12 =	sand.u32 @!p1 $0x1, s12  }
0x21: {  	s12 =	smul.u32 @!p1 $0xFA0, s12  }
0x22: {  	s13 =	sshrl.u32 @!p1 s10, $0x3  }
0x23: {  	s16 =	sand.u32 @!p1 $0x7, s10;
	s14 =	sadd.s32 @!p1 s2, s13;
	s15 =	sor.u32 @!p1 $0x8, s12  }
0x24: {  	[tilespmem:s15], [sflag:$0x2] =	stream.linear.gather @!p1 [hbm4b:s14+s16], $0xFA0, $0x38;
	[tilespmem:$0x3E88] =	vst v63  }
0x25: {  	s13 =	sadd.s32 @!p1 s7, s13;
	s12 =	sadd.s32 @!p1 $0x1F48, s12  }
0x26: {  	[tilespmem:s12], [sflag:$0x2] =	stream.linear.gather @!p1 [hbm4b:s13+s16], $0xFA0, $0x38;
	[tilespmem:$0x3E88] =	vst v63  }
0x27: {  	p1 =	seq.s32 s11, $0x0  }
.Ltmp2:
0x28: {  	_ = 	snop;
	(pc) =	sbr.rel @p1 .LBB2_5-.Ltmp2, $1  }
0x29: {  	_ =	sdelay $0x3  }
0x2a: {  	s12 =	sand.u32 $0x1, s11  }
0x2b: {  	_ =	swait.ge [sflag:s6], $0x1F40;
	p1 =	seq.s32 s12, $0x1;
	s12 =	simm.s32 $0xFA0  }
0x2c: {  	[sflag:s6] =	ssyncset.done $0x0;
	s12 =	simm.s32 @!p1 $0x0  }
0x2d: {  	[sflag:s6] =	ssyncadd.s32 $0xFFFFE0C0;
	s14 =	sor.u32 $0x8, s12  }
0x2e: {  	v0 =	vld.msk [tilespmem:s14+$0x0 ss:$0x1], $0xffff;
	_ =	sdelay $0x4  }
0x2f: {  	v0 =	vmin.u32 v0, $0x80;
	_ =	sdelay $0x3  }
0x30: {  	s13 =	simm.s32 $0x0;
	s12 =	sadd.s32 $0x1F48, s12;
	s14 =	sadd.s32 $0x10, s14  }
0x31: {  	[spmem:s9] =	stream.indirect_vreg.scatter.add.s32 [tilespmem:s12], [sflag:$0x1], $0x1, v0, vm0, $0x4038;
	[tilespmem:$0x3E88] =	vst v63  }
.LBB2_3:
0x32: {  	v0 =	vld.msk [tilespmem:s14+$0x0 ss:$0x1], $0xffff;
	s13 =	sadd.s32 $0x10, s13  }
0x33: {  	p1 =	slt.u32 s13, $0xF90;
	_ =	sdelay $0x4  }
0x34: {  	v0 =	vmin.u32 v0, $0x80  }
.Ltmp3:
0x35: {  	(pc) =	sbr.rel @p1 .LBB2_3-.Ltmp3, $3  }
0x36: {  	_ =	sdelay $0x1  }
0x37: {  	s14 =	sadd.s32 $0x10, s14;
	s12 =	sadd.s32 $0x10, s12  }
0x38: {  	[spmem:s9] =	stream.indirect_vreg.scatter.add.s32 [tilespmem:s12], [sflag:$0x1], $0x1, v0, vm0, $0x4038;
	[tilespmem:$0x3E88] =	vst v63  }
.Ltmp4:
0x39: {  	(pc) =	sbr.rel .LBB2_5-.Ltmp4, $4  }
0x3a: {  	_ = 	snop  }
0x3b: {  	_ =	swait.ge [sflag:s5], $0xFA0  }
0x3c: {  	[sflag:s5] =	ssyncset.done $0x0  }
0x3d: {  	[sflag:s5] =	ssyncadd.s32 $0xFFFFF060  }
.LBB2_6:
0x3e: {  	_ =	sfence.sel $0x180000  }
0x3f: {  	s2 =	simm.s32 $0x2;
	[bflag:$0x0] =	sbarrier.arrive $0xFFFF  }
0x40: {  	s30 =	simm.s32 $0x1;
	[sflag:s2] =	ssyncpa.u1 $0x1  }
0x41: {  	[sflag:s30] =	ssyncpa.u1 $0x1  }
0x42: {  	_ =	sfence.stream.spmem  }
0x43: {  	s31 =	simm.s32 $0x3D;
	[bflag:$0x0] =	sbarrier.arrive $0xFFFF  }
0x44: {  	s2 =	simm.s32 @p0 $0x3D;
	[sflag:s31] =	ssyncpa.u1 $0x0  }
0x45: {  	[sflag:s2] =	ssyncpa.u1 @p0 $0x1  }
0x46: {  	[bflag:$0x0] =	sbarrier.arrive @p0 $0xFFFF  }
0x47: {  	_ =	strace @p0 $0x90000047  }
0x48: {  	s3 =	simm.s32 @!p0 $0x1C3D;
	s2 =	simm.s32 @!p0 $0x0;
	[bflag:$0x2] =	sbarrier.arrive @p0 $0xFFFF  }
0x49: {  	[hbm:s1], [sflag:s3] =	dma.local @!p0 [spmem:s2], $0x10  }
0x4a: {  	s1 =	simm.s32 @!p0 $0x3D  }
0x4b: {  	_ =	swait.ge @!p0 [sflag:s1], $0x10  }
0x4c: {  	[sflag:s1] =	ssyncset.done @!p0 $0x0  }
0x4d: {  	[sflag:s1] =	ssyncadd.s32 @!p0 $0xFFFFFFF0  }
0x4e: {  	[sflag:s1] =	ssyncpa.u1 @!p0 $0x1  }
0x4f: {  	[bflag:$0x0] =	sbarrier.arrive @!p0 $0xFFFF  }
0x50: {  	_ =	strace @!p0 $0x90000047  }
0x51: {  	s0 =	sadd.s32 @!p0 $0x100000, s0;
	[bflag:$0x2] =	sbarrier.arrive @!p0 $0xFFFF  }
0x52: {  	[sflag:s0] =	ssyncadd.tile.s32 @!p0 $0x1;
	_ =	shalt  }
.Lfunc_end2:
_tile_overlayer_lowered:
.L_overlay_start_2:
0x53: {  	(tag) =	ssettag $0x2  }
0x54: {  	s0 =	rddreg [dreg:$0x0];
	s2 =	stileid.u32  }
0x55: {  	s1 =	rddreg [dreg:$0x1];
	p0 =	sne.s32 s2, $0x0  }
0x56: {  	s3 =	rddreg [dreg:$0x2];
	[bflag:$0x3] =	sbarrier.arrive $0xFFFF;
	s2 =	simm.s32 @!p0 $0x1C01  }
0x57: {  	[timem:s3], [sflag:s2] =	dma.local @!p0 [hbm:s0], s1  }
0x58: {  	s0 =	simm.s32 @!p0 $0x1  }
0x59: {  	_ =	swait.ge @!p0 [sflag:s0], s1  }
0x5a: {  	s1 =	ssub.s32 @!p0 $0x0, s1;
	[sflag:s0] =	ssyncset.done @!p0 $0x0  }
0x5b: {  	[sflag:s0] =	ssyncadd.s32 @!p0 s1  }
0x5c: {  	[bflag:$0x3] =	sbarrier.arrive $0xFFFF  }
0x5d: {  	_ =	shalt  }

</sc_bundles>
